<compile_context>
chip_gen: v7x
topology: tpu7x:2x2x1
jax: 0.10.2.dev20260603
libtpu: 0.0.44.dev20260713+nightly
codegen_flags: <defaults>
</compile_context>

<pallas_src>
import functools

import jax
import jax.numpy as jnp
from jax import lax
from jax.experimental import pallas as pl
from jax.experimental.pallas import tpu as pltpu
from jax.experimental.pallas import tpu_sc as plsc

_B, _S, _D = 4, 2048, 1024
_NC, _NS, _L = 2, 16, 16
_NW = _NC * _NS
_ROWS_W = _S // _NW
_CH = 16
_NQ = _ROWS_W // _CH
_NCHUNK = _B * _NQ


_NBUF = 3


def _sc_body(x_hbm, t_hbm, o_hbm, t_buf, xb0, xb1, xb2,
             t_sem, in_sem0, in_sem1, in_sem2, out_sem0, out_sem1, out_sem2):
    wid = lax.axis_index("s") * _NC + lax.axis_index("c")
    s0 = wid * _ROWS_W

    bufs = (xb0, xb1, xb2)
    in_sems = (in_sem0, in_sem1, in_sem2)
    out_sems = (out_sem0, out_sem1, out_sem2)

    def chunk_slice(ref, i):
        b, q = divmod(i, _NQ)
        return ref.at[b, pl.ds(s0 + q * _CH, _CH), :]

    t_cp = pltpu.make_async_copy(
        t_hbm.at[pl.ds(s0, _ROWS_W), :], t_buf, t_sem)
    t_cp.start()
    in_cp = [None] * _NCHUNK
    out_cp = [None] * _NCHUNK
    in_cp[0] = pltpu.make_async_copy(chunk_slice(x_hbm, 0), bufs[0], in_sems[0])
    in_cp[0].start()
    t_cp.wait()

    for i in range(_NCHUNK):
        buf = bufs[i % _NBUF]
        in_cp[i].wait()
        if i + 1 < _NCHUNK:
            if i >= 2:
                out_cp[i - 2].wait()
            in_cp[i + 1] = pltpu.make_async_copy(
                chunk_slice(x_hbm, i + 1),
                bufs[(i + 1) % _NBUF], in_sems[(i + 1) % _NBUF])
            in_cp[i + 1].start()

        t_row0 = (i % _NQ) * _CH

        @plsc.parallel_loop(0, _CH * _D, _L, unroll=8)
        def _(j):
            r = lax.shift_right_logical(j, 10)
            c = pl.multiple_of(lax.bitwise_and(j, _D - 1), _L)
            v = t_buf[t_row0 + r, pl.ds(c, _L)]
            plsc.addupdate(buf.at[r, pl.ds(c, _L)], v)

        out_cp[i] = pltpu.make_async_copy(
            buf, chunk_slice(o_hbm, i), out_sems[i % _NBUF])
        out_cp[i].start()

    out_cp[_NCHUNK - 2].wait()
    out_cp[_NCHUNK - 1].wait()


_sc_kernel = functools.partial(
    pl.kernel,
    out_type=jax.ShapeDtypeStruct((_B, _S, _D), jnp.float32),
    mesh=plsc.VectorSubcoreMesh(
        core_axis_name="c", subcore_axis_name="s",
        num_cores=_NC, num_subcores=_NS),
    scratch_types=[
        pltpu.VMEM((_ROWS_W, _D), jnp.float32),
        pltpu.VMEM((_CH, _D), jnp.float32),
        pltpu.VMEM((_CH, _D), jnp.float32),
        pltpu.VMEM((_CH, _D), jnp.float32),
        pltpu.SemaphoreType.DMA,
        pltpu.SemaphoreType.DMA,
        pltpu.SemaphoreType.DMA,
        pltpu.SemaphoreType.DMA,
        pltpu.SemaphoreType.DMA,
        pltpu.SemaphoreType.DMA,
        pltpu.SemaphoreType.DMA,
    ],
)(_sc_body)


def kernel(x, pos_table):
    return _sc_kernel(x, pos_table)

# --- scband reference (transcript-rebuilt; emitter-appended) ---
"""Pipeline reference for scband-learnable-positional-encoding-54941221650739 (READ-ONLY COPY).

The authoritative reference and input builder live on the scoring server;
editing this copy changes nothing except your own understanding.
"""

import jax, jax.numpy as jnp
import numpy as np


def setup_inputs(seed: int = 0) -> dict:
    key = jax.random.key(seed)
    k1, k2 = jax.random.split(key)
    x = jax.random.normal(k1, (4, 2048, 1024), dtype=jnp.float32)
    # learned positional embedding table: nn.Embedding(max_len=2048, d_model=1024)
    pos_table = jax.random.normal(k2, (2048, 1024), dtype=jnp.float32)
    return {"x": x, "pos_table": pos_table}


def reference(x, pos_table):
    batch_size, seq_len, d_model = x.shape
    positions = jnp.arange(seq_len, dtype=jnp.int32)[None, :]
    positions = jnp.broadcast_to(positions, (batch_size, seq_len))
    pos_emb = jnp.take(pos_table, positions, axis=0)  # [B, S, d_model]
    return x + pos_emb

if __name__ == "__main__":
    import jax
    _d = setup_inputs()
    print(jax.jit(kernel)(*tuple(_d.values())))

</pallas_src>

<mosaic_0001>
#map = affine_map<(d0, d1) -> (0, 0, 0)>
#map1 = affine_map<(d0, d1) -> (0, 0)>
module attributes {stable_mosaic.version = 14 : i64} {
  func.func @_sc_body(%arg0: i32, %arg1: i32, %arg2: memref<4x2048x1024xf32, #tpu.memory_space<hbm>>, %arg3: memref<2048x1024xf32, #tpu.memory_space<hbm>>, %arg4: memref<4x2048x1024xf32, #tpu.memory_space<hbm>>, %arg5: memref<64x1024xf32, #tpu.memory_space<vmem>>, %arg6: memref<16x1024xf32, #tpu.memory_space<vmem>>, %arg7: memref<16x1024xf32, #tpu.memory_space<vmem>>, %arg8: memref<16x1024xf32, #tpu.memory_space<vmem>>, %arg9: memref<!tpu.dma_semaphore, #tpu.memory_space<semaphore_mem>>, %arg10: memref<!tpu.dma_semaphore, #tpu.memory_space<semaphore_mem>>, %arg11: memref<!tpu.dma_semaphore, #tpu.memory_space<semaphore_mem>>, %arg12: memref<!tpu.dma_semaphore, #tpu.memory_space<semaphore_mem>>, %arg13: memref<!tpu.dma_semaphore, #tpu.memory_space<semaphore_mem>>, %arg14: memref<!tpu.dma_semaphore, #tpu.memory_space<semaphore_mem>>, %arg15: memref<!tpu.dma_semaphore, #tpu.memory_space<semaphore_mem>>) attributes {dimension_semantics = [#tpu.dimension_semantics<core_parallel>, #tpu.dimension_semantics<subcore_parallel>], iteration_bounds = array<i64: 2, 16>, scalar_prefetch = 0 : i64, scratch_operands = 11 : i64, tpu.core_type = #tpu.core_type<sc_vector_subcore>, window_params = [{transform_indices = #map}, {transform_indices = #map1}, {transform_indices = #map}]} {
    %mul3A = arith.constant 2 : i32
    %mul3A_0 = arith.muli %arg1, %mul3A : i32
    %add3A = arith.addi %mul3A_0, %arg0 : i32
    %mul3A_1 = arith.constant 64 : i32
    %mul3A_2 = arith.muli %add3A, %mul3A_1 : i32
    %dma_start3A = arith.constant 0 : i32
    %dma_start3A_3 = tpu.memref_slice %arg3[%mul3A_2, %dma_start3A] : memref<2048x1024xf32, #tpu.memory_space<hbm>> -> memref<64x1024xf32, #tpu.memory_space<hbm>>
    %dma_start3A_4 = arith.constant 0 : i32
    %dma_start3A_5 = tpu.memref_slice %arg3[%mul3A_2, %dma_start3A_4] : memref<2048x1024xf32, #tpu.memory_space<hbm>> -> memref<64x1024xf32, #tpu.memory_space<hbm>>
    tpu.enqueue_dma source(%dma_start3A_5 : memref<64x1024xf32, #tpu.memory_space<hbm>>) target(%arg5 : memref<64x1024xf32, #tpu.memory_space<vmem>>) target_semaphore(%arg9 : memref<!tpu.dma_semaphore, #tpu.memory_space<semaphore_mem>>)
    %add3A_6 = arith.constant 0 : i32
    %add3A_7 = arith.addi %mul3A_2, %add3A_6 : i32
    %dma_start3A_8 = arith.constant 0 : i32
    %dma_start3A_9 = arith.constant 0 : i32
    %dma_start3A_10 = tpu.memref_slice %arg2[%dma_start3A_8, %add3A_7, %dma_start3A_9] : memref<4x2048x1024xf32, #tpu.memory_space<hbm>> -> memref<1x16x1024xf32, #tpu.memory_space<hbm>>
    %dma_start3A_11 = tpu.memref_squeeze %dma_start3A_10 : memref<1x16x1024xf32, #tpu.memory_space<hbm>> -> memref<16x1024xf32, #tpu.memory_space<hbm>>
    %dma_start3A_12 = arith.constant 0 : i32
    %dma_start3A_13 = tpu.memref_slice %arg2[%dma_start3A_8, %add3A_7, %dma_start3A_12] : memref<4x2048x1024xf32, #tpu.memory_space<hbm>> -> memref<1x16x1024xf32, #tpu.memory_space<hbm>>
    %dma_start3A_14 = tpu.memref_squeeze %dma_start3A_13 : memref<1x16x1024xf32, #tpu.memory_space<hbm>> -> memref<16x1024xf32, #tpu.memory_space<hbm>>
    tpu.enqueue_dma source(%dma_start3A_14 : memref<16x1024xf32, #tpu.memory_space<hbm>>) target(%arg6 : memref<16x1024xf32, #tpu.memory_space<vmem>>) target_semaphore(%arg10 : memref<!tpu.dma_semaphore, #tpu.memory_space<semaphore_mem>>)
    %dma_wait3A = arith.constant 0 : i32
    %dma_wait3A_15 = tpu.memref_slice %arg3[%mul3A_2, %dma_wait3A] : memref<2048x1024xf32, #tpu.memory_space<hbm>> -> memref<64x1024xf32, #tpu.memory_space<hbm>>
    %dma_wait3A_16 = arith.constant 0 : i32
    %dma_wait3A_17 = tpu.memref_slice %arg3[%mul3A_2, %dma_wait3A_16] : memref<2048x1024xf32, #tpu.memory_space<hbm>> -> memref<64x1024xf32, #tpu.memory_space<hbm>>
    tpu.wait_dma2 semaphore(%arg9 : memref<!tpu.dma_semaphore, #tpu.memory_space<semaphore_mem>>) src(%dma_wait3A_17 : memref<64x1024xf32, #tpu.memory_space<hbm>>) dst(%arg5 : memref<64x1024xf32, #tpu.memory_space<vmem>>)
    %dma_wait3A_18 = arith.constant 0 : i32
    %dma_wait3A_19 = arith.constant 0 : i32
    %dma_wait3A_20 = tpu.memref_slice %arg2[%dma_wait3A_18, %add3A_7, %dma_wait3A_19] : memref<4x2048x1024xf32, #tpu.memory_space<hbm>> -> memref<1x16x1024xf32, #tpu.memory_space<hbm>>
    %dma_wait3A_21 = tpu.memref_squeeze %dma_wait3A_20 : memref<1x16x1024xf32, #tpu.memory_space<hbm>> -> memref<16x1024xf32, #tpu.memory_space<hbm>>
    %dma_wait3A_22 = arith.constant 0 : i32
    %dma_wait3A_23 = tpu.memref_slice %arg2[%dma_wait3A_18, %add3A_7, %dma_wait3A_22] : memref<4x2048x1024xf32, #tpu.memory_space<hbm>> -> memref<1x16x1024xf32, #tpu.memory_space<hbm>>
    %dma_wait3A_24 = tpu.memref_squeeze %dma_wait3A_23 : memref<1x16x1024xf32, #tpu.memory_space<hbm>> -> memref<16x1024xf32, #tpu.memory_space<hbm>>
    tpu.wait_dma2 semaphore(%arg10 : memref<!tpu.dma_semaphore, #tpu.memory_space<semaphore_mem>>) src(%dma_wait3A_24 : memref<16x1024xf32, #tpu.memory_space<hbm>>) dst(%arg6 : memref<16x1024xf32, #tpu.memory_space<vmem>>)
    %add3A_25 = arith.constant 16 : i32
    %add3A_26 = arith.addi %mul3A_2, %add3A_25 : i32
    %dma_start3A_27 = arith.constant 0 : i32
    %dma_start3A_28 = arith.constant 0 : i32
    %dma_start3A_29 = tpu.memref_slice %arg2[%dma_start3A_27, %add3A_26, %dma_start3A_28] : memref<4x2048x1024xf32, #tpu.memory_space<hbm>> -> memref<1x16x1024xf32, #tpu.memory_space<hbm>>
    %dma_start3A_30 = tpu.memref_squeeze %dma_start3A_29 : memref<1x16x1024xf32, #tpu.memory_space<hbm>> -> memref<16x1024xf32, #tpu.memory_space<hbm>>
    %dma_start3A_31 = arith.constant 0 : i32
    %dma_start3A_32 = tpu.memref_slice %arg2[%dma_start3A_27, %add3A_26, %dma_start3A_31] : memref<4x2048x1024xf32, #tpu.memory_space<hbm>> -> memref<1x16x1024xf32, #tpu.memory_space<hbm>>
    %dma_start3A_33 = tpu.memref_squeeze %dma_start3A_32 : memref<1x16x1024xf32, #tpu.memory_space<hbm>> -> memref<16x1024xf32, #tpu.memory_space<hbm>>
    tpu.enqueue_dma source(%dma_start3A_33 : memref<16x1024xf32, #tpu.memory_space<hbm>>) target(%arg7 : memref<16x1024xf32, #tpu.memory_space<vmem>>) target_semaphore(%arg11 : memref<!tpu.dma_semaphore, #tpu.memory_space<semaphore_mem>>)
    %parallel_loop3A = arith.constant 0 : i32
    %parallel_loop3A_34 = arith.constant 16384 : i32
    %parallel_loop3A_35 = arith.constant 16 : i32
    scf.for %parallel_loop3A_561 = %parallel_loop3A to %parallel_loop3A_34 step %parallel_loop3A_35  : i32 {
      %parallel_loop3A_562 = arith.constant 10 : i32
      %parallel_loop3A_563 = arith.shrui %parallel_loop3A_561, %parallel_loop3A_562 : i32
      %parallel_loop3A_564 = arith.constant 1023 : i32
      %parallel_loop3A_565 = arith.andi %parallel_loop3A_561, %parallel_loop3A_564 : i32
      %parallel_loop3A_566 = tpu.assume_multiple %parallel_loop3A_565, 16 : i32
      %parallel_loop3A_567 = arith.constant 0 : i32
      %parallel_loop3A_568 = arith.addi %parallel_loop3A_567, %parallel_loop3A_563 : i32
      %parallel_loop3A_569 = arith.index_cast %parallel_loop3A_568 : i32 to index
      %parallel_loop3A_570 = arith.index_cast %parallel_loop3A_566 : i32 to index
      %parallel_loop3A_571 = tpu.vector_load %arg5[%parallel_loop3A_569, %parallel_loop3A_570] {strides = array<i32>} : memref<64x1024xf32, #tpu.memory_space<vmem>>, vector<1x16xf32>,
      %parallel_loop3A_572 = vector.shape_cast %parallel_loop3A_571 : vector<1x16xf32> to vector<16xf32>
      %parallel_loop3A_573 = arith.index_cast %parallel_loop3A_563 : i32 to index
      %parallel_loop3A_574 = arith.index_cast %parallel_loop3A_566 : i32 to index
      %parallel_loop3A_575 = tpu.vector_load %arg6[%parallel_loop3A_573, %parallel_loop3A_574] {strides = array<i32>} : memref<16x1024xf32, #tpu.memory_space<vmem>>, vector<1x16xf32>,
      %parallel_loop3A_576 = vector.shape_cast %parallel_loop3A_575 : vector<1x16xf32> to vector<16xf32>
      %parallel_loop3A_577 = vector.shape_cast %parallel_loop3A_572 : vector<16xf32> to vector<1x16xf32>
      tpu.vector_store %arg6[%parallel_loop3A_573, %parallel_loop3A_574], %parallel_loop3A_577 {add = true, strides = array<i32>} : memref<16x1024xf32, #tpu.memory_space<vmem>>, vector<1x16xf32>,
    } {sc.loop_unroll_factor = 8 : i64, sc.parallel_access}
    %add3A_36 = arith.constant 0 : i32
    %add3A_37 = arith.addi %mul3A_2, %add3A_36 : i32
    %dma_start3A_38 = arith.constant 0 : i32
    %dma_start3A_39 = arith.constant 0 : i32
    %dma_start3A_40 = tpu.memref_slice %arg4[%dma_start3A_38, %add3A_37, %dma_start3A_39] : memref<4x2048x1024xf32, #tpu.memory_space<hbm>> -> memref<1x16x1024xf32, #tpu.memory_space<hbm>>
    %dma_start3A_41 = tpu.memref_squeeze %dma_start3A_40 : memref<1x16x1024xf32, #tpu.memory_space<hbm>> -> memref<16x1024xf32, #tpu.memory_space<hbm>>
    %dma_start3A_42 = arith.constant 0 : i32
    %dma_start3A_43 = tpu.memref_slice %arg4[%dma_start3A_38, %add3A_37, %dma_start3A_42] : memref<4x2048x1024xf32, #tpu.memory_space<hbm>> -> memref<1x16x1024xf32, #tpu.memory_space<hbm>>
    %dma_start3A_44 = tpu.memref_squeeze %dma_start3A_43 : memref<1x16x1024xf32, #tpu.memory_space<hbm>> -> memref<16x1024xf32, #tpu.memory_space<hbm>>
    tpu.enqueue_dma source(%arg6 : memref<16x1024xf32, #tpu.memory_space<vmem>>) target(%dma_start3A_44 : memref<16x1024xf32, #tpu.memory_space<hbm>>) target_semaphore(%arg13 : memref<!tpu.dma_semaphore, #tpu.memory_space<semaphore_mem>>)
    %dma_wait3A_45 = arith.constant 0 : i32
    %dma_wait3A_46 = arith.constant 0 : i32
    %dma_wait3A_47 = tpu.memref_slice %arg2[%dma_wait3A_45, %add3A_26, %dma_wait3A_46] : memref<4x2048x1024xf32, #tpu.memory_space<hbm>> -> memref<1x16x1024xf32, #tpu.memory_space<hbm>>
    %dma_wait3A_48 = tpu.memref_squeeze %dma_wait3A_47 : memref<1x16x1024xf32, #tpu.memory_space<hbm>> -> memref<16x1024xf32, #tpu.memory_space<hbm>>
    %dma_wait3A_49 = arith.constant 0 : i32
    %dma_wait3A_50 = tpu.memref_slice %arg2[%dma_wait3A_45, %add3A_26, %dma_wait3A_49] : memref<4x2048x1024xf32, #tpu.memory_space<hbm>> -> memref<1x16x1024xf32, #tpu.memory_space<hbm>>
    %dma_wait3A_51 = tpu.memref_squeeze %dma_wait3A_50 : memref<1x16x1024xf32, #tpu.memory_space<hbm>> -> memref<16x1024xf32, #tpu.memory_space<hbm>>
    tpu.wait_dma2 semaphore(%arg11 : memref<!tpu.dma_semaphore, #tpu.memory_space<semaphore_mem>>) src(%dma_wait3A_51 : memref<16x1024xf32, #tpu.memory_space<hbm>>) dst(%arg7 : memref<16x1024xf32, #tpu.memory_space<vmem>>)
    %add3A_52 = arith.constant 32 : i32
    %add3A_53 = arith.addi %mul3A_2, %add3A_52 : i32
    %dma_start3A_54 = arith.constant 0 : i32
    %dma_start3A_55 = arith.constant 0 : i32
    %dma_start3A_56 = tpu.memref_slice %arg2[%dma_start3A_54, %add3A_53, %dma_start3A_55] : memref<4x2048x1024xf32, #tpu.memory_space<hbm>> -> memref<1x16x1024xf32, #tpu.memory_space<hbm>>
    %dma_start3A_57 = tpu.memref_squeeze %dma_start3A_56 : memref<1x16x1024xf32, #tpu.memory_space<hbm>> -> memref<16x1024xf32, #tpu.memory_space<hbm>>
    %dma_start3A_58 = arith.constant 0 : i32
    %dma_start3A_59 = tpu.memref_slice %arg2[%dma_start3A_54, %add3A_53, %dma_start3A_58] : memref<4x2048x1024xf32, #tpu.memory_space<hbm>> -> memref<1x16x1024xf32, #tpu.memory_space<hbm>>
    %dma_start3A_60 = tpu.memref_squeeze %dma_start3A_59 : memref<1x16x1024xf32, #tpu.memory_space<hbm>> -> memref<16x1024xf32, #tpu.memory_space<hbm>>
    tpu.enqueue_dma source(%dma_start3A_60 : memref<16x1024xf32, #tpu.memory_space<hbm>>) target(%arg8 : memref<16x1024xf32, #tpu.memory_space<vmem>>) target_semaphore(%arg12 : memref<!tpu.dma_semaphore, #tpu.memory_space<semaphore_mem>>)
    %parallel_loop3A_61 = arith.constant 0 : i32
    %parallel_loop3A_62 = arith.constant 16384 : i32
    %parallel_loop3A_63 = arith.constant 16 : i32
    scf.for %parallel_loop3A_561 = %parallel_loop3A_61 to %parallel_loop3A_62 step %parallel_loop3A_63  : i32 {
      %parallel_loop3A_562 = arith.constant 10 : i32
      %parallel_loop3A_563 = arith.shrui %parallel_loop3A_561, %parallel_loop3A_562 : i32
      %parallel_loop3A_564 = arith.constant 1023 : i32
      %parallel_loop3A_565 = arith.andi %parallel_loop3A_561, %parallel_loop3A_564 : i32
      %parallel_loop3A_566 = tpu.assume_multiple %parallel_loop3A_565, 16 : i32
      %parallel_loop3A_567 = arith.constant 16 : i32
      %parallel_loop3A_568 = arith.addi %parallel_loop3A_567, %parallel_loop3A_563 : i32
      %parallel_loop3A_569 = arith.index_cast %parallel_loop3A_568 : i32 to index
      %parallel_loop3A_570 = arith.index_cast %parallel_loop3A_566 : i32 to index
      %parallel_loop3A_571 = tpu.vector_load %arg5[%parallel_loop3A_569, %parallel_loop3A_570] {strides = array<i32>} : memref<64x1024xf32, #tpu.memory_space<vmem>>, vector<1x16xf32>,
      %parallel_loop3A_572 = vector.shape_cast %parallel_loop3A_571 : vector<1x16xf32> to vector<16xf32>
      %parallel_loop3A_573 = arith.index_cast %parallel_loop3A_563 : i32 to index
      %parallel_loop3A_574 = arith.index_cast %parallel_loop3A_566 : i32 to index
      %parallel_loop3A_575 = tpu.vector_load %arg7[%parallel_loop3A_573, %parallel_loop3A_574] {strides = array<i32>} : memref<16x1024xf32, #tpu.memory_space<vmem>>, vector<1x16xf32>,
      %parallel_loop3A_576 = vector.shape_cast %parallel_loop3A_575 : vector<1x16xf32> to vector<16xf32>
      %parallel_loop3A_577 = vector.shape_cast %parallel_loop3A_572 : vector<16xf32> to vector<1x16xf32>
      tpu.vector_store %arg7[%parallel_loop3A_573, %parallel_loop3A_574], %parallel_loop3A_577 {add = true, strides = array<i32>} : memref<16x1024xf32, #tpu.memory_space<vmem>>, vector<1x16xf32>,
    } {sc.loop_unroll_factor = 8 : i64, sc.parallel_access}
    %add3A_64 = arith.constant 16 : i32
    %add3A_65 = arith.addi %mul3A_2, %add3A_64 : i32
    %dma_start3A_66 = arith.constant 0 : i32
    %dma_start3A_67 = arith.constant 0 : i32
    %dma_start3A_68 = tpu.memref_slice %arg4[%dma_start3A_66, %add3A_65, %dma_start3A_67] : memref<4x2048x1024xf32, #tpu.memory_space<hbm>> -> memref<1x16x1024xf32, #tpu.memory_space<hbm>>
    %dma_start3A_69 = tpu.memref_squeeze %dma_start3A_68 : memref<1x16x1024xf32, #tpu.memory_space<hbm>> -> memref<16x1024xf32, #tpu.memory_space<hbm>>
    %dma_start3A_70 = arith.constant 0 : i32
    %dma_start3A_71 = tpu.memref_slice %arg4[%dma_start3A_66, %add3A_65, %dma_start3A_70] : memref<4x2048x1024xf32, #tpu.memory_space<hbm>> -> memref<1x16x1024xf32, #tpu.memory_space<hbm>>
    %dma_start3A_72 = tpu.memref_squeeze %dma_start3A_71 : memref<1x16x1024xf32, #tpu.memory_space<hbm>> -> memref<16x1024xf32, #tpu.memory_space<hbm>>
    tpu.enqueue_dma source(%arg7 : memref<16x1024xf32, #tpu.memory_space<vmem>>) target(%dma_start3A_72 : memref<16x1024xf32, #tpu.memory_space<hbm>>) target_semaphore(%arg14 : memref<!tpu.dma_semaphore, #tpu.memory_space<semaphore_mem>>)
    %dma_wait3A_73 = arith.constant 0 : i32
    %dma_wait3A_74 = arith.constant 0 : i32
    %dma_wait3A_75 = tpu.memref_slice %arg2[%dma_wait3A_73, %add3A_53, %dma_wait3A_74] : memref<4x2048x1024xf32, #tpu.memory_space<hbm>> -> memref<1x16x1024xf32, #tpu.memory_space<hbm>>
    %dma_wait3A_76 = tpu.memref_squeeze %dma_wait3A_75 : memref<1x16x1024xf32, #tpu.memory_space<hbm>> -> memref<16x1024xf32, #tpu.memory_space<hbm>>
    %dma_wait3A_77 = arith.constant 0 : i32
    %dma_wait3A_78 = tpu.memref_slice %arg2[%dma_wait3A_73, %add3A_53, %dma_wait3A_77] : memref<4x2048x1024xf32, #tpu.memory_space<hbm>> -> memref<1x16x1024xf32, #tpu.memory_space<hbm>>
    %dma_wait3A_79 = tpu.memref_squeeze %dma_wait3A_78 : memref<1x16x1024xf32, #tpu.memory_space<hbm>> -> memref<16x1024xf32, #tpu.memory_space<hbm>>
    tpu.wait_dma2 semaphore(%arg12 : memref<!tpu.dma_semaphore, #tpu.memory_space<semaphore_mem>>) src(%dma_wait3A_79 : memref<16x1024xf32, #tpu.memory_space<hbm>>) dst(%arg8 : memref<16x1024xf32, #tpu.memory_space<vmem>>)
    %dma_wait3A_80 = arith.constant 0 : i32
    %dma_wait3A_81 = arith.constant 0 : i32
    %dma_wait3A_82 = tpu.memref_slice %arg4[%dma_wait3A_80, %add3A_37, %dma_wait3A_81] : memref<4x2048x1024xf32, #tpu.memory_space<hbm>> -> memref<1x16x1024xf32, #tpu.memory_space<hbm>>
    %dma_wait3A_83 = tpu.memref_squeeze %dma_wait3A_82 : memref<1x16x1024xf32, #tpu.memory_space<hbm>> -> memref<16x1024xf32, #tpu.memory_space<hbm>>
    %dma_wait3A_84 = arith.constant 0 : i32
    %dma_wait3A_85 = tpu.memref_slice %arg4[%dma_wait3A_80, %add3A_37, %dma_wait3A_84] : memref<4x2048x1024xf32, #tpu.memory_space<hbm>> -> memref<1x16x1024xf32, #tpu.memory_space<hbm>>
    %dma_wait3A_86 = tpu.memref_squeeze %dma_wait3A_85 : memref<1x16x1024xf32, #tpu.memory_space<hbm>> -> memref<16x1024xf32, #tpu.memory_space<hbm>>
    tpu.wait_dma2 semaphore(%arg13 : memref<!tpu.dma_semaphore, #tpu.memory_space<semaphore_mem>>) src(%arg6 : memref<16x1024xf32, #tpu.memory_space<vmem>>) dst(%dma_wait3A_86 : memref<16x1024xf32, #tpu.memory_space<hbm>>)
    %add3A_87 = arith.constant 48 : i32
    %add3A_88 = arith.addi %mul3A_2, %add3A_87 : i32
    %dma_start3A_89 = arith.constant 0 : i32
    %dma_start3A_90 = arith.constant 0 : i32
    %dma_start3A_91 = tpu.memref_slice %arg2[%dma_start3A_89, %add3A_88, %dma_start3A_90] : memref<4x2048x1024xf32, #tpu.memory_space<hbm>> -> memref<1x16x1024xf32, #tpu.memory_space<hbm>>
    %dma_start3A_92 = tpu.memref_squeeze %dma_start3A_91 : memref<1x16x1024xf32, #tpu.memory_space<hbm>> -> memref<16x1024xf32, #tpu.memory_space<hbm>>
    %dma_start3A_93 = arith.constant 0 : i32
    %dma_start3A_94 = tpu.memref_slice %arg2[%dma_start3A_89, %add3A_88, %dma_start3A_93] : memref<4x2048x1024xf32, #tpu.memory_space<hbm>> -> memref<1x16x1024xf32, #tpu.memory_space<hbm>>
    %dma_start3A_95 = tpu.memref_squeeze %dma_start3A_94 : memref<1x16x1024xf32, #tpu.memory_space<hbm>> -> memref<16x1024xf32, #tpu.memory_space<hbm>>
    tpu.enqueue_dma source(%dma_start3A_95 : memref<16x1024xf32, #tpu.memory_space<hbm>>) target(%arg6 : memref<16x1024xf32, #tpu.memory_space<vmem>>) target_semaphore(%arg10 : memref<!tpu.dma_semaphore, #tpu.memory_space<semaphore_mem>>)
    %parallel_loop3A_96 = arith.constant 0 : i32
    %parallel_loop3A_97 = arith.constant 16384 : i32
    %parallel_loop3A_98 = arith.constant 16 : i32
    scf.for %parallel_loop3A_561 = %parallel_loop3A_96 to %parallel_loop3A_97 step %parallel_loop3A_98  : i32 {
      %parallel_loop3A_562 = arith.constant 10 : i32
      %parallel_loop3A_563 = arith.shrui %parallel_loop3A_561, %parallel_loop3A_562 : i32
      %parallel_loop3A_564 = arith.constant 1023 : i32
      %parallel_loop3A_565 = arith.andi %parallel_loop3A_561, %parallel_loop3A_564 : i32
      %parallel_loop3A_566 = tpu.assume_multiple %parallel_loop3A_565, 16 : i32
      %parallel_loop3A_567 = arith.constant 32 : i32
      %parallel_loop3A_568 = arith.addi %parallel_loop3A_567, %parallel_loop3A_563 : i32
      %parallel_loop3A_569 = arith.index_cast %parallel_loop3A_568 : i32 to index
      %parallel_loop3A_570 = arith.index_cast %parallel_loop3A_566 : i32 to index
      %parallel_loop3A_571 = tpu.vector_load %arg5[%parallel_loop3A_569, %parallel_loop3A_570] {strides = array<i32>} : memref<64x1024xf32, #tpu.memory_space<vmem>>, vector<1x16xf32>,
      %parallel_loop3A_572 = vector.shape_cast %parallel_loop3A_571 : vector<1x16xf32> to vector<16xf32>
      %parallel_loop3A_573 = arith.index_cast %parallel_loop3A_563 : i32 to index
      %parallel_loop3A_574 = arith.index_cast %parallel_loop3A_566 : i32 to index
      %parallel_loop3A_575 = tpu.vector_load %arg8[%parallel_loop3A_573, %parallel_loop3A_574] {strides = array<i32>} : memref<16x1024xf32, #tpu.memory_space<vmem>>, vector<1x16xf32>,
      %parallel_loop3A_576 = vector.shape_cast %parallel_loop3A_575 : vector<1x16xf32> to vector<16xf32>
      %parallel_loop3A_577 = vector.shape_cast %parallel_loop3A_572 : vector<16xf32> to vector<1x16xf32>
      tpu.vector_store %arg8[%parallel_loop3A_573, %parallel_loop3A_574], %parallel_loop3A_577 {add = true, strides = array<i32>} : memref<16x1024xf32, #tpu.memory_space<vmem>>, vector<1x16xf32>,
    } {sc.loop_unroll_factor = 8 : i64, sc.parallel_access}
    %add3A_99 = arith.constant 32 : i32
    %add3A_100 = arith.addi %mul3A_2, %add3A_99 : i32
    %dma_start3A_101 = arith.constant 0 : i32
    %dma_start3A_102 = arith.constant 0 : i32
    %dma_start3A_103 = tpu.memref_slice %arg4[%dma_start3A_101, %add3A_100, %dma_start3A_102] : memref<4x2048x1024xf32, #tpu.memory_space<hbm>> -> memref<1x16x1024xf32, #tpu.memory_space<hbm>>
    %dma_start3A_104 = tpu.memref_squeeze %dma_start3A_103 : memref<1x16x1024xf32, #tpu.memory_space<hbm>> -> memref<16x1024xf32, #tpu.memory_space<hbm>>
    %dma_start3A_105 = arith.constant 0 : i32
    %dma_start3A_106 = tpu.memref_slice %arg4[%dma_start3A_101, %add3A_100, %dma_start3A_105] : memref<4x2048x1024xf32, #tpu.memory_space<hbm>> -> memref<1x16x1024xf32, #tpu.memory_space<hbm>>
    %dma_start3A_107 = tpu.memref_squeeze %dma_start3A_106 : memref<1x16x1024xf32, #tpu.memory_space<hbm>> -> memref<16x1024xf32, #tpu.memory_space<hbm>>
    tpu.enqueue_dma source(%arg8 : memref<16x1024xf32, #tpu.memory_space<vmem>>) target(%dma_start3A_107 : memref<16x1024xf32, #tpu.memory_space<hbm>>) target_semaphore(%arg15 : memref<!tpu.dma_semaphore, #tpu.memory_space<semaphore_mem>>)
    %dma_wait3A_108 = arith.constant 0 : i32
    %dma_wait3A_109 = arith.constant 0 : i32
    %dma_wait3A_110 = tpu.memref_slice %arg2[%dma_wait3A_108, %add3A_88, %dma_wait3A_109] : memref<4x2048x1024xf32, #tpu.memory_space<hbm>> -> memref<1x16x1024xf32, #tpu.memory_space<hbm>>
    %dma_wait3A_111 = tpu.memref_squeeze %dma_wait3A_110 : memref<1x16x1024xf32, #tpu.memory_space<hbm>> -> memref<16x1024xf32, #tpu.memory_space<hbm>>
    %dma_wait3A_112 = arith.constant 0 : i32
    %dma_wait3A_113 = tpu.memref_slice %arg2[%dma_wait3A_108, %add3A_88, %dma_wait3A_112] : memref<4x2048x1024xf32, #tpu.memory_space<hbm>> -> memref<1x16x1024xf32, #tpu.memory_space<hbm>>
    %dma_wait3A_114 = tpu.memref_squeeze %dma_wait3A_113 : memref<1x16x1024xf32, #tpu.memory_space<hbm>> -> memref<16x1024xf32, #tpu.memory_space<hbm>>
    tpu.wait_dma2 semaphore(%arg10 : memref<!tpu.dma_semaphore, #tpu.memory_space<semaphore_mem>>) src(%dma_wait3A_114 : memref<16x1024xf32, #tpu.memory_space<hbm>>) dst(%arg6 : memref<16x1024xf32, #tpu.memory_space<vmem>>)
    %dma_wait3A_115 = arith.constant 0 : i32
    %dma_wait3A_116 = arith.constant 0 : i32
    %dma_wait3A_117 = tpu.memref_slice %arg4[%dma_wait3A_115, %add3A_65, %dma_wait3A_116] : memref<4x2048x1024xf32, #tpu.memory_space<hbm>> -> memref<1x16x1024xf32, #tpu.memory_space<hbm>>
    %dma_wait3A_118 = tpu.memref_squeeze %dma_wait3A_117 : memref<1x16x1024xf32, #tpu.memory_space<hbm>> -> memref<16x1024xf32, #tpu.memory_space<hbm>>
    %dma_wait3A_119 = arith.constant 0 : i32
    %dma_wait3A_120 = tpu.memref_slice %arg4[%dma_wait3A_115, %add3A_65, %dma_wait3A_119] : memref<4x2048x1024xf32, #tpu.memory_space<hbm>> -> memref<1x16x1024xf32, #tpu.memory_space<hbm>>
    %dma_wait3A_121 = tpu.memref_squeeze %dma_wait3A_120 : memref<1x16x1024xf32, #tpu.memory_space<hbm>> -> memref<16x1024xf32, #tpu.memory_space<hbm>>
    tpu.wait_dma2 semaphore(%arg14 : memref<!tpu.dma_semaphore, #tpu.memory_space<semaphore_mem>>) src(%arg7 : memref<16x1024xf32, #tpu.memory_space<vmem>>) dst(%dma_wait3A_121 : memref<16x1024xf32, #tpu.memory_space<hbm>>)
    %add3A_122 = arith.constant 0 : i32
    %add3A_123 = arith.addi %mul3A_2, %add3A_122 : i32
    %dma_start3A_124 = arith.constant 1 : i32
    %dma_start3A_125 = arith.constant 0 : i32
    %dma_start3A_126 = tpu.memref_slice %arg2[%dma_start3A_124, %add3A_123, %dma_start3A_125] : memref<4x2048x1024xf32, #tpu.memory_space<hbm>> -> memref<1x16x1024xf32, #tpu.memory_space<hbm>>
    %dma_start3A_127 = tpu.memref_squeeze %dma_start3A_126 : memref<1x16x1024xf32, #tpu.memory_space<hbm>> -> memref<16x1024xf32, #tpu.memory_space<hbm>>
    %dma_start3A_128 = arith.constant 0 : i32
    %dma_start3A_129 = tpu.memref_slice %arg2[%dma_start3A_124, %add3A_123, %dma_start3A_128] : memref<4x2048x1024xf32, #tpu.memory_space<hbm>> -> memref<1x16x1024xf32, #tpu.memory_space<hbm>>
    %dma_start3A_130 = tpu.memref_squeeze %dma_start3A_129 : memref<1x16x1024xf32, #tpu.memory_space<hbm>> -> memref<16x1024xf32, #tpu.memory_space<hbm>>
    tpu.enqueue_dma source(%dma_start3A_130 : memref<16x1024xf32, #tpu.memory_space<hbm>>) target(%arg7 : memref<16x1024xf32, #tpu.memory_space<vmem>>) target_semaphore(%arg11 : memref<!tpu.dma_semaphore, #tpu.memory_space<semaphore_mem>>)
    %parallel_loop3A_131 = arith.constant 0 : i32
    %parallel_loop3A_132 = arith.constant 16384 : i32
    %parallel_loop3A_133 = arith.constant 16 : i32
    scf.for %parallel_loop3A_561 = %parallel_loop3A_131 to %parallel_loop3A_132 step %parallel_loop3A_133  : i32 {
      %parallel_loop3A_562 = arith.constant 10 : i32
      %parallel_loop3A_563 = arith.shrui %parallel_loop3A_561, %parallel_loop3A_562 : i32
      %parallel_loop3A_564 = arith.constant 1023 : i32
      %parallel_loop3A_565 = arith.andi %parallel_loop3A_561, %parallel_loop3A_564 : i32
      %parallel_loop3A_566 = tpu.assume_multiple %parallel_loop3A_565, 16 : i32
      %parallel_loop3A_567 = arith.constant 48 : i32
      %parallel_loop3A_568 = arith.addi %parallel_loop3A_567, %parallel_loop3A_563 : i32
      %parallel_loop3A_569 = arith.index_cast %parallel_loop3A_568 : i32 to index
      %parallel_loop3A_570 = arith.index_cast %parallel_loop3A_566 : i32 to index
      %parallel_loop3A_571 = tpu.vector_load %arg5[%parallel_loop3A_569, %parallel_loop3A_570] {strides = array<i32>} : memref<64x1024xf32, #tpu.memory_space<vmem>>, vector<1x16xf32>,
      %parallel_loop3A_572 = vector.shape_cast %parallel_loop3A_571 : vector<1x16xf32> to vector<16xf32>
      %parallel_loop3A_573 = arith.index_cast %parallel_loop3A_563 : i32 to index
      %parallel_loop3A_574 = arith.index_cast %parallel_loop3A_566 : i32 to index
      %parallel_loop3A_575 = tpu.vector_load %arg6[%parallel_loop3A_573, %parallel_loop3A_574] {strides = array<i32>} : memref<16x1024xf32, #tpu.memory_space<vmem>>, vector<1x16xf32>,
      %parallel_loop3A_576 = vector.shape_cast %parallel_loop3A_575 : vector<1x16xf32> to vector<16xf32>
      %parallel_loop3A_577 = vector.shape_cast %parallel_loop3A_572 : vector<16xf32> to vector<1x16xf32>
      tpu.vector_store %arg6[%parallel_loop3A_573, %parallel_loop3A_574], %parallel_loop3A_577 {add = true, strides = array<i32>} : memref<16x1024xf32, #tpu.memory_space<vmem>>, vector<1x16xf32>,
    } {sc.loop_unroll_factor = 8 : i64, sc.parallel_access}
    %add3A_134 = arith.constant 48 : i32
    %add3A_135 = arith.addi %mul3A_2, %add3A_134 : i32
    %dma_start3A_136 = arith.constant 0 : i32
    %dma_start3A_137 = arith.constant 0 : i32
    %dma_start3A_138 = tpu.memref_slice %arg4[%dma_start3A_136, %add3A_135, %dma_start3A_137] : memref<4x2048x1024xf32, #tpu.memory_space<hbm>> -> memref<1x16x1024xf32, #tpu.memory_space<hbm>>
    %dma_start3A_139 = tpu.memref_squeeze %dma_start3A_138 : memref<1x16x1024xf32, #tpu.memory_space<hbm>> -> memref<16x1024xf32, #tpu.memory_space<hbm>>
    %dma_start3A_140 = arith.constant 0 : i32
    %dma_start3A_141 = tpu.memref_slice %arg4[%dma_start3A_136, %add3A_135, %dma_start3A_140] : memref<4x2048x1024xf32, #tpu.memory_space<hbm>> -> memref<1x16x1024xf32, #tpu.memory_space<hbm>>
    %dma_start3A_142 = tpu.memref_squeeze %dma_start3A_141 : memref<1x16x1024xf32, #tpu.memory_space<hbm>> -> memref<16x1024xf32, #tpu.memory_space<hbm>>
    tpu.enqueue_dma source(%arg6 : memref<16x1024xf32, #tpu.memory_space<vmem>>) target(%dma_start3A_142 : memref<16x1024xf32, #tpu.memory_space<hbm>>) target_semaphore(%arg13 : memref<!tpu.dma_semaphore, #tpu.memory_space<semaphore_mem>>)
    %dma_wait3A_143 = arith.constant 1 : i32
    %dma_wait3A_144 = arith.constant 0 : i32
    %dma_wait3A_145 = tpu.memref_slice %arg2[%dma_wait3A_143, %add3A_123, %dma_wait3A_144] : memref<4x2048x1024xf32, #tpu.memory_space<hbm>> -> memref<1x16x1024xf32, #tpu.memory_space<hbm>>
    %dma_wait3A_146 = tpu.memref_squeeze %dma_wait3A_145 : memref<1x16x1024xf32, #tpu.memory_space<hbm>> -> memref<16x1024xf32, #tpu.memory_space<hbm>>
    %dma_wait3A_147 = arith.constant 0 : i32
    %dma_wait3A_148 = tpu.memref_slice %arg2[%dma_wait3A_143, %add3A_123, %dma_wait3A_147] : memref<4x2048x1024xf32, #tpu.memory_space<hbm>> -> memref<1x16x1024xf32, #tpu.memory_space<hbm>>
    %dma_wait3A_149 = tpu.memref_squeeze %dma_wait3A_148 : memref<1x16x1024xf32, #tpu.memory_space<hbm>> -> memref<16x1024xf32, #tpu.memory_space<hbm>>
    tpu.wait_dma2 semaphore(%arg11 : memref<!tpu.dma_semaphore, #tpu.memory_space<semaphore_mem>>) src(%dma_wait3A_149 : memref<16x1024xf32, #tpu.memory_space<hbm>>) dst(%arg7 : memref<16x1024xf32, #tpu.memory_space<vmem>>)
    %dma_wait3A_150 = arith.constant 0 : i32
    %dma_wait3A_151 = arith.constant 0 : i32
    %dma_wait3A_152 = tpu.memref_slice %arg4[%dma_wait3A_150, %add3A_100, %dma_wait3A_151] : memref<4x2048x1024xf32, #tpu.memory_space<hbm>> -> memref<1x16x1024xf32, #tpu.memory_space<hbm>>
    %dma_wait3A_153 = tpu.memref_squeeze %dma_wait3A_152 : memref<1x16x1024xf32, #tpu.memory_space<hbm>> -> memref<16x1024xf32, #tpu.memory_space<hbm>>
    %dma_wait3A_154 = arith.constant 0 : i32
    %dma_wait3A_155 = tpu.memref_slice %arg4[%dma_wait3A_150, %add3A_100, %dma_wait3A_154] : memref<4x2048x1024xf32, #tpu.memory_space<hbm>> -> memref<1x16x1024xf32, #tpu.memory_space<hbm>>
    %dma_wait3A_156 = tpu.memref_squeeze %dma_wait3A_155 : memref<1x16x1024xf32, #tpu.memory_space<hbm>> -> memref<16x1024xf32, #tpu.memory_space<hbm>>
    tpu.wait_dma2 semaphore(%arg15 : memref<!tpu.dma_semaphore, #tpu.memory_space<semaphore_mem>>) src(%arg8 : memref<16x1024xf32, #tpu.memory_space<vmem>>) dst(%dma_wait3A_156 : memref<16x1024xf32, #tpu.memory_space<hbm>>)
    %add3A_157 = arith.constant 16 : i32
    %add3A_158 = arith.addi %mul3A_2, %add3A_157 : i32
    %dma_start3A_159 = arith.constant 1 : i32
    %dma_start3A_160 = arith.constant 0 : i32
    %dma_start3A_161 = tpu.memref_slice %arg2[%dma_start3A_159, %add3A_158, %dma_start3A_160] : memref<4x2048x1024xf32, #tpu.memory_space<hbm>> -> memref<1x16x1024xf32, #tpu.memory_space<hbm>>
    %dma_start3A_162 = tpu.memref_squeeze %dma_start3A_161 : memref<1x16x1024xf32, #tpu.memory_space<hbm>> -> memref<16x1024xf32, #tpu.memory_space<hbm>>
    %dma_start3A_163 = arith.constant 0 : i32
    %dma_start3A_164 = tpu.memref_slice %arg2[%dma_start3A_159, %add3A_158, %dma_start3A_163] : memref<4x2048x1024xf32, #tpu.memory_space<hbm>> -> memref<1x16x1024xf32, #tpu.memory_space<hbm>>
    %dma_start3A_165 = tpu.memref_squeeze %dma_start3A_164 : memref<1x16x1024xf32, #tpu.memory_space<hbm>> -> memref<16x1024xf32, #tpu.memory_space<hbm>>
    tpu.enqueue_dma source(%dma_start3A_165 : memref<16x1024xf32, #tpu.memory_space<hbm>>) target(%arg8 : memref<16x1024xf32, #tpu.memory_space<vmem>>) target_semaphore(%arg12 : memref<!tpu.dma_semaphore, #tpu.memory_space<semaphore_mem>>)
    %parallel_loop3A_166 = arith.constant 0 : i32
    %parallel_loop3A_167 = arith.constant 16384 : i32
    %parallel_loop3A_168 = arith.constant 16 : i32
    scf.for %parallel_loop3A_561 = %parallel_loop3A_166 to %parallel_loop3A_167 step %parallel_loop3A_168  : i32 {
      %parallel_loop3A_562 = arith.constant 10 : i32
      %parallel_loop3A_563 = arith.shrui %parallel_loop3A_561, %parallel_loop3A_562 : i32
      %parallel_loop3A_564 = arith.constant 1023 : i32
      %parallel_loop3A_565 = arith.andi %parallel_loop3A_561, %parallel_loop3A_564 : i32
      %parallel_loop3A_566 = tpu.assume_multiple %parallel_loop3A_565, 16 : i32
      %parallel_loop3A_567 = arith.constant 0 : i32
      %parallel_loop3A_568 = arith.addi %parallel_loop3A_567, %parallel_loop3A_563 : i32
      %parallel_loop3A_569 = arith.index_cast %parallel_loop3A_568 : i32 to index
      %parallel_loop3A_570 = arith.index_cast %parallel_loop3A_566 : i32 to index
      %parallel_loop3A_571 = tpu.vector_load %arg5[%parallel_loop3A_569, %parallel_loop3A_570] {strides = array<i32>} : memref<64x1024xf32, #tpu.memory_space<vmem>>, vector<1x16xf32>,
      %parallel_loop3A_572 = vector.shape_cast %parallel_loop3A_571 : vector<1x16xf32> to vector<16xf32>
      %parallel_loop3A_573 = arith.index_cast %parallel_loop3A_563 : i32 to index
      %parallel_loop3A_574 = arith.index_cast %parallel_loop3A_566 : i32 to index
      %parallel_loop3A_575 = tpu.vector_load %arg7[%parallel_loop3A_573, %parallel_loop3A_574] {strides = array<i32>} : memref<16x1024xf32, #tpu.memory_space<vmem>>, vector<1x16xf32>,
      %parallel_loop3A_576 = vector.shape_cast %parallel_loop3A_575 : vector<1x16xf32> to vector<16xf32>
      %parallel_loop3A_577 = vector.shape_cast %parallel_loop3A_572 : vector<16xf32> to vector<1x16xf32>
      tpu.vector_store %arg7[%parallel_loop3A_573, %parallel_loop3A_574], %parallel_loop3A_577 {add = true, strides = array<i32>} : memref<16x1024xf32, #tpu.memory_space<vmem>>, vector<1x16xf32>,
    } {sc.loop_unroll_factor = 8 : i64, sc.parallel_access}
    %add3A_169 = arith.constant 0 : i32
    %add3A_170 = arith.addi %mul3A_2, %add3A_169 : i32
    %dma_start3A_171 = arith.constant 1 : i32
    %dma_start3A_172 = arith.constant 0 : i32
    %dma_start3A_173 = tpu.memref_slice %arg4[%dma_start3A_171, %add3A_170, %dma_start3A_172] : memref<4x2048x1024xf32, #tpu.memory_space<hbm>> -> memref<1x16x1024xf32, #tpu.memory_space<hbm>>
    %dma_start3A_174 = tpu.memref_squeeze %dma_start3A_173 : memref<1x16x1024xf32, #tpu.memory_space<hbm>> -> memref<16x1024xf32, #tpu.memory_space<hbm>>
    %dma_start3A_175 = arith.constant 0 : i32
    %dma_start3A_176 = tpu.memref_slice %arg4[%dma_start3A_171, %add3A_170, %dma_start3A_175] : memref<4x2048x1024xf32, #tpu.memory_space<hbm>> -> memref<1x16x1024xf32, #tpu.memory_space<hbm>>
    %dma_start3A_177 = tpu.memref_squeeze %dma_start3A_176 : memref<1x16x1024xf32, #tpu.memory_space<hbm>> -> memref<16x1024xf32, #tpu.memory_space<hbm>>
    tpu.enqueue_dma source(%arg7 : memref<16x1024xf32, #tpu.memory_space<vmem>>) target(%dma_start3A_177 : memref<16x1024xf32, #tpu.memory_space<hbm>>) target_semaphore(%arg14 : memref<!tpu.dma_semaphore, #tpu.memory_space<semaphore_mem>>)
    %dma_wait3A_178 = arith.constant 1 : i32
    %dma_wait3A_179 = arith.constant 0 : i32
    %dma_wait3A_180 = tpu.memref_slice %arg2[%dma_wait3A_178, %add3A_158, %dma_wait3A_179] : memref<4x2048x1024xf32, #tpu.memory_space<hbm>> -> memref<1x16x1024xf32, #tpu.memory_space<hbm>>
    %dma_wait3A_181 = tpu.memref_squeeze %dma_wait3A_180 : memref<1x16x1024xf32, #tpu.memory_space<hbm>> -> memref<16x1024xf32, #tpu.memory_space<hbm>>
    %dma_wait3A_182 = arith.constant 0 : i32
    %dma_wait3A_183 = tpu.memref_slice %arg2[%dma_wait3A_178, %add3A_158, %dma_wait3A_182] : memref<4x2048x1024xf32, #tpu.memory_space<hbm>> -> memref<1x16x1024xf32, #tpu.memory_space<hbm>>
    %dma_wait3A_184 = tpu.memref_squeeze %dma_wait3A_183 : memref<1x16x1024xf32, #tpu.memory_space<hbm>> -> memref<16x1024xf32, #tpu.memory_space<hbm>>
    tpu.wait_dma2 semaphore(%arg12 : memref<!tpu.dma_semaphore, #tpu.memory_space<semaphore_mem>>) src(%dma_wait3A_184 : memref<16x1024xf32, #tpu.memory_space<hbm>>) dst(%arg8 : memref<16x1024xf32, #tpu.memory_space<vmem>>)
    %dma_wait3A_185 = arith.constant 0 : i32
    %dma_wait3A_186 = arith.constant 0 : i32
    %dma_wait3A_187 = tpu.memref_slice %arg4[%dma_wait3A_185, %add3A_135, %dma_wait3A_186] : memref<4x2048x1024xf32, #tpu.memory_space<hbm>> -> memref<1x16x1024xf32, #tpu.memory_space<hbm>>
    %dma_wait3A_188 = tpu.memref_squeeze %dma_wait3A_187 : memref<1x16x1024xf32, #tpu.memory_space<hbm>> -> memref<16x1024xf32, #tpu.memory_space<hbm>>
    %dma_wait3A_189 = arith.constant 0 : i32
    %dma_wait3A_190 = tpu.memref_slice %arg4[%dma_wait3A_185, %add3A_135, %dma_wait3A_189] : memref<4x2048x1024xf32, #tpu.memory_space<hbm>> -> memref<1x16x1024xf32, #tpu.memory_space<hbm>>
    %dma_wait3A_191 = tpu.memref_squeeze %dma_wait3A_190 : memref<1x16x1024xf32, #tpu.memory_space<hbm>> -> memref<16x1024xf32, #tpu.memory_space<hbm>>
    tpu.wait_dma2 semaphore(%arg13 : memref<!tpu.dma_semaphore, #tpu.memory_space<semaphore_mem>>) src(%arg6 : memref<16x1024xf32, #tpu.memory_space<vmem>>) dst(%dma_wait3A_191 : memref<16x1024xf32, #tpu.memory_space<hbm>>)
    %add3A_192 = arith.constant 32 : i32
    %add3A_193 = arith.addi %mul3A_2, %add3A_192 : i32
    %dma_start3A_194 = arith.constant 1 : i32
    %dma_start3A_195 = arith.constant 0 : i32
    %dma_start3A_196 = tpu.memref_slice %arg2[%dma_start3A_194, %add3A_193, %dma_start3A_195] : memref<4x2048x1024xf32, #tpu.memory_space<hbm>> -> memref<1x16x1024xf32, #tpu.memory_space<hbm>>
    %dma_start3A_197 = tpu.memref_squeeze %dma_start3A_196 : memref<1x16x1024xf32, #tpu.memory_space<hbm>> -> memref<16x1024xf32, #tpu.memory_space<hbm>>
    %dma_start3A_198 = arith.constant 0 : i32
    %dma_start3A_199 = tpu.memref_slice %arg2[%dma_start3A_194, %add3A_193, %dma_start3A_198] : memref<4x2048x1024xf32, #tpu.memory_space<hbm>> -> memref<1x16x1024xf32, #tpu.memory_space<hbm>>
    %dma_start3A_200 = tpu.memref_squeeze %dma_start3A_199 : memref<1x16x1024xf32, #tpu.memory_space<hbm>> -> memref<16x1024xf32, #tpu.memory_space<hbm>>
    tpu.enqueue_dma source(%dma_start3A_200 : memref<16x1024xf32, #tpu.memory_space<hbm>>) target(%arg6 : memref<16x1024xf32, #tpu.memory_space<vmem>>) target_semaphore(%arg10 : memref<!tpu.dma_semaphore, #tpu.memory_space<semaphore_mem>>)
    %parallel_loop3A_201 = arith.constant 0 : i32
    %parallel_loop3A_202 = arith.constant 16384 : i32
    %parallel_loop3A_203 = arith.constant 16 : i32
    scf.for %parallel_loop3A_561 = %parallel_loop3A_201 to %parallel_loop3A_202 step %parallel_loop3A_203  : i32 {
      %parallel_loop3A_562 = arith.constant 10 : i32
      %parallel_loop3A_563 = arith.shrui %parallel_loop3A_561, %parallel_loop3A_562 : i32
      %parallel_loop3A_564 = arith.constant 1023 : i32
      %parallel_loop3A_565 = arith.andi %parallel_loop3A_561, %parallel_loop3A_564 : i32
      %parallel_loop3A_566 = tpu.assume_multiple %parallel_loop3A_565, 16 : i32
      %parallel_loop3A_567 = arith.constant 16 : i32
      %parallel_loop3A_568 = arith.addi %parallel_loop3A_567, %parallel_loop3A_563 : i32
      %parallel_loop3A_569 = arith.index_cast %parallel_loop3A_568 : i32 to index
      %parallel_loop3A_570 = arith.index_cast %parallel_loop3A_566 : i32 to index
      %parallel_loop3A_571 = tpu.vector_load %arg5[%parallel_loop3A_569, %parallel_loop3A_570] {strides = array<i32>} : memref<64x1024xf32, #tpu.memory_space<vmem>>, vector<1x16xf32>,
      %parallel_loop3A_572 = vector.shape_cast %parallel_loop3A_571 : vector<1x16xf32> to vector<16xf32>
      %parallel_loop3A_573 = arith.index_cast %parallel_loop3A_563 : i32 to index
      %parallel_loop3A_574 = arith.index_cast %parallel_loop3A_566 : i32 to index
      %parallel_loop3A_575 = tpu.vector_load %arg8[%parallel_loop3A_573, %parallel_loop3A_574] {strides = array<i32>} : memref<16x1024xf32, #tpu.memory_space<vmem>>, vector<1x16xf32>,
      %parallel_loop3A_576 = vector.shape_cast %parallel_loop3A_575 : vector<1x16xf32> to vector<16xf32>
      %parallel_loop3A_577 = vector.shape_cast %parallel_loop3A_572 : vector<16xf32> to vector<1x16xf32>
      tpu.vector_store %arg8[%parallel_loop3A_573, %parallel_loop3A_574], %parallel_loop3A_577 {add = true, strides = array<i32>} : memref<16x1024xf32, #tpu.memory_space<vmem>>, vector<1x16xf32>,
    } {sc.loop_unroll_factor = 8 : i64, sc.parallel_access}
    %add3A_204 = arith.constant 16 : i32
    %add3A_205 = arith.addi %mul3A_2, %add3A_204 : i32
    %dma_start3A_206 = arith.constant 1 : i32
    %dma_start3A_207 = arith.constant 0 : i32
    %dma_start3A_208 = tpu.memref_slice %arg4[%dma_start3A_206, %add3A_205, %dma_start3A_207] : memref<4x2048x1024xf32, #tpu.memory_space<hbm>> -> memref<1x16x1024xf32, #tpu.memory_space<hbm>>
    %dma_start3A_209 = tpu.memref_squeeze %dma_start3A_208 : memref<1x16x1024xf32, #tpu.memory_space<hbm>> -> memref<16x1024xf32, #tpu.memory_space<hbm>>
    %dma_start3A_210 = arith.constant 0 : i32
    %dma_start3A_211 = tpu.memref_slice %arg4[%dma_start3A_206, %add3A_205, %dma_start3A_210] : memref<4x2048x1024xf32, #tpu.memory_space<hbm>> -> memref<1x16x1024xf32, #tpu.memory_space<hbm>>
    %dma_start3A_212 = tpu.memref_squeeze %dma_start3A_211 : memref<1x16x1024xf32, #tpu.memory_space<hbm>> -> memref<16x1024xf32, #tpu.memory_space<hbm>>
    tpu.enqueue_dma source(%arg8 : memref<16x1024xf32, #tpu.memory_space<vmem>>) target(%dma_start3A_212 : memref<16x1024xf32, #tpu.memory_space<hbm>>) target_semaphore(%arg15 : memref<!tpu.dma_semaphore, #tpu.memory_space<semaphore_mem>>)
    %dma_wait3A_213 = arith.constant 1 : i32
    %dma_wait3A_214 = arith.constant 0 : i32
    %dma_wait3A_215 = tpu.memref_slice %arg2[%dma_wait3A_213, %add3A_193, %dma_wait3A_214] : memref<4x2048x1024xf32, #tpu.memory_space<hbm>> -> memref<1x16x1024xf32, #tpu.memory_space<hbm>>
    %dma_wait3A_216 = tpu.memref_squeeze %dma_wait3A_215 : memref<1x16x1024xf32, #tpu.memory_space<hbm>> -> memref<16x1024xf32, #tpu.memory_space<hbm>>
    %dma_wait3A_217 = arith.constant 0 : i32
    %dma_wait3A_218 = tpu.memref_slice %arg2[%dma_wait3A_213, %add3A_193, %dma_wait3A_217] : memref<4x2048x1024xf32, #tpu.memory_space<hbm>> -> memref<1x16x1024xf32, #tpu.memory_space<hbm>>
    %dma_wait3A_219 = tpu.memref_squeeze %dma_wait3A_218 : memref<1x16x1024xf32, #tpu.memory_space<hbm>> -> memref<16x1024xf32, #tpu.memory_space<hbm>>
    tpu.wait_dma2 semaphore(%arg10 : memref<!tpu.dma_semaphore, #tpu.memory_space<semaphore_mem>>) src(%dma_wait3A_219 : memref<16x1024xf32, #tpu.memory_space<hbm>>) dst(%arg6 : memref<16x1024xf32, #tpu.memory_space<vmem>>)
    %dma_wait3A_220 = arith.constant 1 : i32
    %dma_wait3A_221 = arith.constant 0 : i32
    %dma_wait3A_222 = tpu.memref_slice %arg4[%dma_wait3A_220, %add3A_170, %dma_wait3A_221] : memref<4x2048x1024xf32, #tpu.memory_space<hbm>> -> memref<1x16x1024xf32, #tpu.memory_space<hbm>>
    %dma_wait3A_223 = tpu.memref_squeeze %dma_wait3A_222 : memref<1x16x1024xf32, #tpu.memory_space<hbm>> -> memref<16x1024xf32, #tpu.memory_space<hbm>>
    %dma_wait3A_224 = arith.constant 0 : i32
    %dma_wait3A_225 = tpu.memref_slice %arg4[%dma_wait3A_220, %add3A_170, %dma_wait3A_224] : memref<4x2048x1024xf32, #tpu.memory_space<hbm>> -> memref<1x16x1024xf32, #tpu.memory_space<hbm>>
    %dma_wait3A_226 = tpu.memref_squeeze %dma_wait3A_225 : memref<1x16x1024xf32, #tpu.memory_space<hbm>> -> memref<16x1024xf32, #tpu.memory_space<hbm>>
    tpu.wait_dma2 semaphore(%arg14 : memref<!tpu.dma_semaphore, #tpu.memory_space<semaphore_mem>>) src(%arg7 : memref<16x1024xf32, #tpu.memory_space<vmem>>) dst(%dma_wait3A_226 : memref<16x1024xf32, #tpu.memory_space<hbm>>)
    %add3A_227 = arith.constant 48 : i32
    %add3A_228 = arith.addi %mul3A_2, %add3A_227 : i32
    %dma_start3A_229 = arith.constant 1 : i32
    %dma_start3A_230 = arith.constant 0 : i32
    %dma_start3A_231 = tpu.memref_slice %arg2[%dma_start3A_229, %add3A_228, %dma_start3A_230] : memref<4x2048x1024xf32, #tpu.memory_space<hbm>> -> memref<1x16x1024xf32, #tpu.memory_space<hbm>>
    %dma_start3A_232 = tpu.memref_squeeze %dma_start3A_231 : memref<1x16x1024xf32, #tpu.memory_space<hbm>> -> memref<16x1024xf32, #tpu.memory_space<hbm>>
    %dma_start3A_233 = arith.constant 0 : i32
    %dma_start3A_234 = tpu.memref_slice %arg2[%dma_start3A_229, %add3A_228, %dma_start3A_233] : memref<4x2048x1024xf32, #tpu.memory_space<hbm>> -> memref<1x16x1024xf32, #tpu.memory_space<hbm>>
    %dma_start3A_235 = tpu.memref_squeeze %dma_start3A_234 : memref<1x16x1024xf32, #tpu.memory_space<hbm>> -> memref<16x1024xf32, #tpu.memory_space<hbm>>
    tpu.enqueue_dma source(%dma_start3A_235 : memref<16x1024xf32, #tpu.memory_space<hbm>>) target(%arg7 : memref<16x1024xf32, #tpu.memory_space<vmem>>) target_semaphore(%arg11 : memref<!tpu.dma_semaphore, #tpu.memory_space<semaphore_mem>>)
    %parallel_loop3A_236 = arith.constant 0 : i32
    %parallel_loop3A_237 = arith.constant 16384 : i32
    %parallel_loop3A_238 = arith.constant 16 : i32
    scf.for %parallel_loop3A_561 = %parallel_loop3A_236 to %parallel_loop3A_237 step %parallel_loop3A_238  : i32 {
      %parallel_loop3A_562 = arith.constant 10 : i32
      %parallel_loop3A_563 = arith.shrui %parallel_loop3A_561, %parallel_loop3A_562 : i32
      %parallel_loop3A_564 = arith.constant 1023 : i32
      %parallel_loop3A_565 = arith.andi %parallel_loop3A_561, %parallel_loop3A_564 : i32
      %parallel_loop3A_566 = tpu.assume_multiple %parallel_loop3A_565, 16 : i32
      %parallel_loop3A_567 = arith.constant 32 : i32
      %parallel_loop3A_568 = arith.addi %parallel_loop3A_567, %parallel_loop3A_563 : i32
      %parallel_loop3A_569 = arith.index_cast %parallel_loop3A_568 : i32 to index
      %parallel_loop3A_570 = arith.index_cast %parallel_loop3A_566 : i32 to index
      %parallel_loop3A_571 = tpu.vector_load %arg5[%parallel_loop3A_569, %parallel_loop3A_570] {strides = array<i32>} : memref<64x1024xf32, #tpu.memory_space<vmem>>, vector<1x16xf32>,
      %parallel_loop3A_572 = vector.shape_cast %parallel_loop3A_571 : vector<1x16xf32> to vector<16xf32>
      %parallel_loop3A_573 = arith.index_cast %parallel_loop3A_563 : i32 to index
      %parallel_loop3A_574 = arith.index_cast %parallel_loop3A_566 : i32 to index
      %parallel_loop3A_575 = tpu.vector_load %arg6[%parallel_loop3A_573, %parallel_loop3A_574] {strides = array<i32>} : memref<16x1024xf32, #tpu.memory_space<vmem>>, vector<1x16xf32>,
      %parallel_loop3A_576 = vector.shape_cast %parallel_loop3A_575 : vector<1x16xf32> to vector<16xf32>
      %parallel_loop3A_577 = vector.shape_cast %parallel_loop3A_572 : vector<16xf32> to vector<1x16xf32>
      tpu.vector_store %arg6[%parallel_loop3A_573, %parallel_loop3A_574], %parallel_loop3A_577 {add = true, strides = array<i32>} : memref<16x1024xf32, #tpu.memory_space<vmem>>, vector<1x16xf32>,
    } {sc.loop_unroll_factor = 8 : i64, sc.parallel_access}
    %add3A_239 = arith.constant 32 : i32
    %add3A_240 = arith.addi %mul3A_2, %add3A_239 : i32
    %dma_start3A_241 = arith.constant 1 : i32
    %dma_start3A_242 = arith.constant 0 : i32
    %dma_start3A_243 = tpu.memref_slice %arg4[%dma_start3A_241, %add3A_240, %dma_start3A_242] : memref<4x2048x1024xf32, #tpu.memory_space<hbm>> -> memref<1x16x1024xf32, #tpu.memory_space<hbm>>
    %dma_start3A_244 = tpu.memref_squeeze %dma_start3A_243 : memref<1x16x1024xf32, #tpu.memory_space<hbm>> -> memref<16x1024xf32, #tpu.memory_space<hbm>>
    %dma_start3A_245 = arith.constant 0 : i32
    %dma_start3A_246 = tpu.memref_slice %arg4[%dma_start3A_241, %add3A_240, %dma_start3A_245] : memref<4x2048x1024xf32, #tpu.memory_space<hbm>> -> memref<1x16x1024xf32, #tpu.memory_space<hbm>>
    %dma_start3A_247 = tpu.memref_squeeze %dma_start3A_246 : memref<1x16x1024xf32, #tpu.memory_space<hbm>> -> memref<16x1024xf32, #tpu.memory_space<hbm>>
    tpu.enqueue_dma source(%arg6 : memref<16x1024xf32, #tpu.memory_space<vmem>>) target(%dma_start3A_247 : memref<16x1024xf32, #tpu.memory_space<hbm>>) target_semaphore(%arg13 : memref<!tpu.dma_semaphore, #tpu.memory_space<semaphore_mem>>)
    %dma_wait3A_248 = arith.constant 1 : i32
    %dma_wait3A_249 = arith.constant 0 : i32
    %dma_wait3A_250 = tpu.memref_slice %arg2[%dma_wait3A_248, %add3A_228, %dma_wait3A_249] : memref<4x2048x1024xf32, #tpu.memory_space<hbm>> -> memref<1x16x1024xf32, #tpu.memory_space<hbm>>
    %dma_wait3A_251 = tpu.memref_squeeze %dma_wait3A_250 : memref<1x16x1024xf32, #tpu.memory_space<hbm>> -> memref<16x1024xf32, #tpu.memory_space<hbm>>
    %dma_wait3A_252 = arith.constant 0 : i32
    %dma_wait3A_253 = tpu.memref_slice %arg2[%dma_wait3A_248, %add3A_228, %dma_wait3A_252] : memref<4x2048x1024xf32, #tpu.memory_space<hbm>> -> memref<1x16x1024xf32, #tpu.memory_space<hbm>>
    %dma_wait3A_254 = tpu.memref_squeeze %dma_wait3A_253 : memref<1x16x1024xf32, #tpu.memory_space<hbm>> -> memref<16x1024xf32, #tpu.memory_space<hbm>>
    tpu.wait_dma2 semaphore(%arg11 : memref<!tpu.dma_semaphore, #tpu.memory_space<semaphore_mem>>) src(%dma_wait3A_254 : memref<16x1024xf32, #tpu.memory_space<hbm>>) dst(%arg7 : memref<16x1024xf32, #tpu.memory_space<vmem>>)
    %dma_wait3A_255 = arith.constant 1 : i32
    %dma_wait3A_256 = arith.constant 0 : i32
    %dma_wait3A_257 = tpu.memref_slice %arg4[%dma_wait3A_255, %add3A_205, %dma_wait3A_256] : memref<4x2048x1024xf32, #tpu.memory_space<hbm>> -> memref<1x16x1024xf32, #tpu.memory_space<hbm>>
    %dma_wait3A_258 = tpu.memref_squeeze %dma_wait3A_257 : memref<1x16x1024xf32, #tpu.memory_space<hbm>> -> memref<16x1024xf32, #tpu.memory_space<hbm>>
    %dma_wait3A_259 = arith.constant 0 : i32
    %dma_wait3A_260 = tpu.memref_slice %arg4[%dma_wait3A_255, %add3A_205, %dma_wait3A_259] : memref<4x2048x1024xf32, #tpu.memory_space<hbm>> -> memref<1x16x1024xf32, #tpu.memory_space<hbm>>
    %dma_wait3A_261 = tpu.memref_squeeze %dma_wait3A_260 : memref<1x16x1024xf32, #tpu.memory_space<hbm>> -> memref<16x1024xf32, #tpu.memory_space<hbm>>
    tpu.wait_dma2 semaphore(%arg15 : memref<!tpu.dma_semaphore, #tpu.memory_space<semaphore_mem>>) src(%arg8 : memref<16x1024xf32, #tpu.memory_space<vmem>>) dst(%dma_wait3A_261 : memref<16x1024xf32, #tpu.memory_space<hbm>>)
    %add3A_262 = arith.constant 0 : i32
    %add3A_263 = arith.addi %mul3A_2, %add3A_262 : i32
    %dma_start3A_264 = arith.constant 2 : i32
    %dma_start3A_265 = arith.constant 0 : i32
    %dma_start3A_266 = tpu.memref_slice %arg2[%dma_start3A_264, %add3A_263, %dma_start3A_265] : memref<4x2048x1024xf32, #tpu.memory_space<hbm>> -> memref<1x16x1024xf32, #tpu.memory_space<hbm>>
    %dma_start3A_267 = tpu.memref_squeeze %dma_start3A_266 : memref<1x16x1024xf32, #tpu.memory_space<hbm>> -> memref<16x1024xf32, #tpu.memory_space<hbm>>
    %dma_start3A_268 = arith.constant 0 : i32
    %dma_start3A_269 = tpu.memref_slice %arg2[%dma_start3A_264, %add3A_263, %dma_start3A_268] : memref<4x2048x1024xf32, #tpu.memory_space<hbm>> -> memref<1x16x1024xf32, #tpu.memory_space<hbm>>
    %dma_start3A_270 = tpu.memref_squeeze %dma_start3A_269 : memref<1x16x1024xf32, #tpu.memory_space<hbm>> -> memref<16x1024xf32, #tpu.memory_space<hbm>>
    tpu.enqueue_dma source(%dma_start3A_270 : memref<16x1024xf32, #tpu.memory_space<hbm>>) target(%arg8 : memref<16x1024xf32, #tpu.memory_space<vmem>>) target_semaphore(%arg12 : memref<!tpu.dma_semaphore, #tpu.memory_space<semaphore_mem>>)
    %parallel_loop3A_271 = arith.constant 0 : i32
    %parallel_loop3A_272 = arith.constant 16384 : i32
    %parallel_loop3A_273 = arith.constant 16 : i32
    scf.for %parallel_loop3A_561 = %parallel_loop3A_271 to %parallel_loop3A_272 step %parallel_loop3A_273  : i32 {
      %parallel_loop3A_562 = arith.constant 10 : i32
      %parallel_loop3A_563 = arith.shrui %parallel_loop3A_561, %parallel_loop3A_562 : i32
      %parallel_loop3A_564 = arith.constant 1023 : i32
      %parallel_loop3A_565 = arith.andi %parallel_loop3A_561, %parallel_loop3A_564 : i32
      %parallel_loop3A_566 = tpu.assume_multiple %parallel_loop3A_565, 16 : i32
      %parallel_loop3A_567 = arith.constant 48 : i32
      %parallel_loop3A_568 = arith.addi %parallel_loop3A_567, %parallel_loop3A_563 : i32
      %parallel_loop3A_569 = arith.index_cast %parallel_loop3A_568 : i32 to index
      %parallel_loop3A_570 = arith.index_cast %parallel_loop3A_566 : i32 to index
      %parallel_loop3A_571 = tpu.vector_load %arg5[%parallel_loop3A_569, %parallel_loop3A_570] {strides = array<i32>} : memref<64x1024xf32, #tpu.memory_space<vmem>>, vector<1x16xf32>,
      %parallel_loop3A_572 = vector.shape_cast %parallel_loop3A_571 : vector<1x16xf32> to vector<16xf32>
      %parallel_loop3A_573 = arith.index_cast %parallel_loop3A_563 : i32 to index
      %parallel_loop3A_574 = arith.index_cast %parallel_loop3A_566 : i32 to index
      %parallel_loop3A_575 = tpu.vector_load %arg7[%parallel_loop3A_573, %parallel_loop3A_574] {strides = array<i32>} : memref<16x1024xf32, #tpu.memory_space<vmem>>, vector<1x16xf32>,
      %parallel_loop3A_576 = vector.shape_cast %parallel_loop3A_575 : vector<1x16xf32> to vector<16xf32>
      %parallel_loop3A_577 = vector.shape_cast %parallel_loop3A_572 : vector<16xf32> to vector<1x16xf32>
      tpu.vector_store %arg7[%parallel_loop3A_573, %parallel_loop3A_574], %parallel_loop3A_577 {add = true, strides = array<i32>} : memref<16x1024xf32, #tpu.memory_space<vmem>>, vector<1x16xf32>,
    } {sc.loop_unroll_factor = 8 : i64, sc.parallel_access}
    %add3A_274 = arith.constant 48 : i32
    %add3A_275 = arith.addi %mul3A_2, %add3A_274 : i32
    %dma_start3A_276 = arith.constant 1 : i32
    %dma_start3A_277 = arith.constant 0 : i32
    %dma_start3A_278 = tpu.memref_slice %arg4[%dma_start3A_276, %add3A_275, %dma_start3A_277] : memref<4x2048x1024xf32, #tpu.memory_space<hbm>> -> memref<1x16x1024xf32, #tpu.memory_space<hbm>>
    %dma_start3A_279 = tpu.memref_squeeze %dma_start3A_278 : memref<1x16x1024xf32, #tpu.memory_space<hbm>> -> memref<16x1024xf32, #tpu.memory_space<hbm>>
    %dma_start3A_280 = arith.constant 0 : i32
    %dma_start3A_281 = tpu.memref_slice %arg4[%dma_start3A_276, %add3A_275, %dma_start3A_280] : memref<4x2048x1024xf32, #tpu.memory_space<hbm>> -> memref<1x16x1024xf32, #tpu.memory_space<hbm>>
    %dma_start3A_282 = tpu.memref_squeeze %dma_start3A_281 : memref<1x16x1024xf32, #tpu.memory_space<hbm>> -> memref<16x1024xf32, #tpu.memory_space<hbm>>
    tpu.enqueue_dma source(%arg7 : memref<16x1024xf32, #tpu.memory_space<vmem>>) target(%dma_start3A_282 : memref<16x1024xf32, #tpu.memory_space<hbm>>) target_semaphore(%arg14 : memref<!tpu.dma_semaphore, #tpu.memory_space<semaphore_mem>>)
    %dma_wait3A_283 = arith.constant 2 : i32
    %dma_wait3A_284 = arith.constant 0 : i32
    %dma_wait3A_285 = tpu.memref_slice %arg2[%dma_wait3A_283, %add3A_263, %dma_wait3A_284] : memref<4x2048x1024xf32, #tpu.memory_space<hbm>> -> memref<1x16x1024xf32, #tpu.memory_space<hbm>>
    %dma_wait3A_286 = tpu.memref_squeeze %dma_wait3A_285 : memref<1x16x1024xf32, #tpu.memory_space<hbm>> -> memref<16x1024xf32, #tpu.memory_space<hbm>>
    %dma_wait3A_287 = arith.constant 0 : i32
    %dma_wait3A_288 = tpu.memref_slice %arg2[%dma_wait3A_283, %add3A_263, %dma_wait3A_287] : memref<4x2048x1024xf32, #tpu.memory_space<hbm>> -> memref<1x16x1024xf32, #tpu.memory_space<hbm>>
    %dma_wait3A_289 = tpu.memref_squeeze %dma_wait3A_288 : memref<1x16x1024xf32, #tpu.memory_space<hbm>> -> memref<16x1024xf32, #tpu.memory_space<hbm>>
    tpu.wait_dma2 semaphore(%arg12 : memref<!tpu.dma_semaphore, #tpu.memory_space<semaphore_mem>>) src(%dma_wait3A_289 : memref<16x1024xf32, #tpu.memory_space<hbm>>) dst(%arg8 : memref<16x1024xf32, #tpu.memory_space<vmem>>)
    %dma_wait3A_290 = arith.constant 1 : i32
    %dma_wait3A_291 = arith.constant 0 : i32
    %dma_wait3A_292 = tpu.memref_slice %arg4[%dma_wait3A_290, %add3A_240, %dma_wait3A_291] : memref<4x2048x1024xf32, #tpu.memory_space<hbm>> -> memref<1x16x1024xf32, #tpu.memory_space<hbm>>
    %dma_wait3A_293 = tpu.memref_squeeze %dma_wait3A_292 : memref<1x16x1024xf32, #tpu.memory_space<hbm>> -> memref<16x1024xf32, #tpu.memory_space<hbm>>
    %dma_wait3A_294 = arith.constant 0 : i32
    %dma_wait3A_295 = tpu.memref_slice %arg4[%dma_wait3A_290, %add3A_240, %dma_wait3A_294] : memref<4x2048x1024xf32, #tpu.memory_space<hbm>> -> memref<1x16x1024xf32, #tpu.memory_space<hbm>>
    %dma_wait3A_296 = tpu.memref_squeeze %dma_wait3A_295 : memref<1x16x1024xf32, #tpu.memory_space<hbm>> -> memref<16x1024xf32, #tpu.memory_space<hbm>>
    tpu.wait_dma2 semaphore(%arg13 : memref<!tpu.dma_semaphore, #tpu.memory_space<semaphore_mem>>) src(%arg6 : memref<16x1024xf32, #tpu.memory_space<vmem>>) dst(%dma_wait3A_296 : memref<16x1024xf32, #tpu.memory_space<hbm>>)
    %add3A_297 = arith.constant 16 : i32
    %add3A_298 = arith.addi %mul3A_2, %add3A_297 : i32
    %dma_start3A_299 = arith.constant 2 : i32
    %dma_start3A_300 = arith.constant 0 : i32
    %dma_start3A_301 = tpu.memref_slice %arg2[%dma_start3A_299, %add3A_298, %dma_start3A_300] : memref<4x2048x1024xf32, #tpu.memory_space<hbm>> -> memref<1x16x1024xf32, #tpu.memory_space<hbm>>
    %dma_start3A_302 = tpu.memref_squeeze %dma_start3A_301 : memref<1x16x1024xf32, #tpu.memory_space<hbm>> -> memref<16x1024xf32, #tpu.memory_space<hbm>>
    %dma_start3A_303 = arith.constant 0 : i32
    %dma_start3A_304 = tpu.memref_slice %arg2[%dma_start3A_299, %add3A_298, %dma_start3A_303] : memref<4x2048x1024xf32, #tpu.memory_space<hbm>> -> memref<1x16x1024xf32, #tpu.memory_space<hbm>>
    %dma_start3A_305 = tpu.memref_squeeze %dma_start3A_304 : memref<1x16x1024xf32, #tpu.memory_space<hbm>> -> memref<16x1024xf32, #tpu.memory_space<hbm>>
    tpu.enqueue_dma source(%dma_start3A_305 : memref<16x1024xf32, #tpu.memory_space<hbm>>) target(%arg6 : memref<16x1024xf32, #tpu.memory_space<vmem>>) target_semaphore(%arg10 : memref<!tpu.dma_semaphore, #tpu.memory_space<semaphore_mem>>)
    %parallel_loop3A_306 = arith.constant 0 : i32
    %parallel_loop3A_307 = arith.constant 16384 : i32
    %parallel_loop3A_308 = arith.constant 16 : i32
    scf.for %parallel_loop3A_561 = %parallel_loop3A_306 to %parallel_loop3A_307 step %parallel_loop3A_308  : i32 {
      %parallel_loop3A_562 = arith.constant 10 : i32
      %parallel_loop3A_563 = arith.shrui %parallel_loop3A_561, %parallel_loop3A_562 : i32
      %parallel_loop3A_564 = arith.constant 1023 : i32
      %parallel_loop3A_565 = arith.andi %parallel_loop3A_561, %parallel_loop3A_564 : i32
      %parallel_loop3A_566 = tpu.assume_multiple %parallel_loop3A_565, 16 : i32
      %parallel_loop3A_567 = arith.constant 0 : i32
      %parallel_loop3A_568 = arith.addi %parallel_loop3A_567, %parallel_loop3A_563 : i32
      %parallel_loop3A_569 = arith.index_cast %parallel_loop3A_568 : i32 to index
      %parallel_loop3A_570 = arith.index_cast %parallel_loop3A_566 : i32 to index
      %parallel_loop3A_571 = tpu.vector_load %arg5[%parallel_loop3A_569, %parallel_loop3A_570] {strides = array<i32>} : memref<64x1024xf32, #tpu.memory_space<vmem>>, vector<1x16xf32>,
      %parallel_loop3A_572 = vector.shape_cast %parallel_loop3A_571 : vector<1x16xf32> to vector<16xf32>
      %parallel_loop3A_573 = arith.index_cast %parallel_loop3A_563 : i32 to index
      %parallel_loop3A_574 = arith.index_cast %parallel_loop3A_566 : i32 to index
      %parallel_loop3A_575 = tpu.vector_load %arg8[%parallel_loop3A_573, %parallel_loop3A_574] {strides = array<i32>} : memref<16x1024xf32, #tpu.memory_space<vmem>>, vector<1x16xf32>,
      %parallel_loop3A_576 = vector.shape_cast %parallel_loop3A_575 : vector<1x16xf32> to vector<16xf32>
      %parallel_loop3A_577 = vector.shape_cast %parallel_loop3A_572 : vector<16xf32> to vector<1x16xf32>
      tpu.vector_store %arg8[%parallel_loop3A_573, %parallel_loop3A_574], %parallel_loop3A_577 {add = true, strides = array<i32>} : memref<16x1024xf32, #tpu.memory_space<vmem>>, vector<1x16xf32>,
    } {sc.loop_unroll_factor = 8 : i64, sc.parallel_access}
    %add3A_309 = arith.constant 0 : i32
    %add3A_310 = arith.addi %mul3A_2, %add3A_309 : i32
    %dma_start3A_311 = arith.constant 2 : i32
    %dma_start3A_312 = arith.constant 0 : i32
    %dma_start3A_313 = tpu.memref_slice %arg4[%dma_start3A_311, %add3A_310, %dma_start3A_312] : memref<4x2048x1024xf32, #tpu.memory_space<hbm>> -> memref<1x16x1024xf32, #tpu.memory_space<hbm>>
    %dma_start3A_314 = tpu.memref_squeeze %dma_start3A_313 : memref<1x16x1024xf32, #tpu.memory_space<hbm>> -> memref<16x1024xf32, #tpu.memory_space<hbm>>
    %dma_start3A_315 = arith.constant 0 : i32
    %dma_start3A_316 = tpu.memref_slice %arg4[%dma_start3A_311, %add3A_310, %dma_start3A_315] : memref<4x2048x1024xf32, #tpu.memory_space<hbm>> -> memref<1x16x1024xf32, #tpu.memory_space<hbm>>
    %dma_start3A_317 = tpu.memref_squeeze %dma_start3A_316 : memref<1x16x1024xf32, #tpu.memory_space<hbm>> -> memref<16x1024xf32, #tpu.memory_space<hbm>>
    tpu.enqueue_dma source(%arg8 : memref<16x1024xf32, #tpu.memory_space<vmem>>) target(%dma_start3A_317 : memref<16x1024xf32, #tpu.memory_space<hbm>>) target_semaphore(%arg15 : memref<!tpu.dma_semaphore, #tpu.memory_space<semaphore_mem>>)
    %dma_wait3A_318 = arith.constant 2 : i32
    %dma_wait3A_319 = arith.constant 0 : i32
    %dma_wait3A_320 = tpu.memref_slice %arg2[%dma_wait3A_318, %add3A_298, %dma_wait3A_319] : memref<4x2048x1024xf32, #tpu.memory_space<hbm>> -> memref<1x16x1024xf32, #tpu.memory_space<hbm>>
    %dma_wait3A_321 = tpu.memref_squeeze %dma_wait3A_320 : memref<1x16x1024xf32, #tpu.memory_space<hbm>> -> memref<16x1024xf32, #tpu.memory_space<hbm>>
    %dma_wait3A_322 = arith.constant 0 : i32
    %dma_wait3A_323 = tpu.memref_slice %arg2[%dma_wait3A_318, %add3A_298, %dma_wait3A_322] : memref<4x2048x1024xf32, #tpu.memory_space<hbm>> -> memref<1x16x1024xf32, #tpu.memory_space<hbm>>
    %dma_wait3A_324 = tpu.memref_squeeze %dma_wait3A_323 : memref<1x16x1024xf32, #tpu.memory_space<hbm>> -> memref<16x1024xf32, #tpu.memory_space<hbm>>
    tpu.wait_dma2 semaphore(%arg10 : memref<!tpu.dma_semaphore, #tpu.memory_space<semaphore_mem>>) src(%dma_wait3A_324 : memref<16x1024xf32, #tpu.memory_space<hbm>>) dst(%arg6 : memref<16x1024xf32, #tpu.memory_space<vmem>>)
    %dma_wait3A_325 = arith.constant 1 : i32
    %dma_wait3A_326 = arith.constant 0 : i32
    %dma_wait3A_327 = tpu.memref_slice %arg4[%dma_wait3A_325, %add3A_275, %dma_wait3A_326] : memref<4x2048x1024xf32, #tpu.memory_space<hbm>> -> memref<1x16x1024xf32, #tpu.memory_space<hbm>>
    %dma_wait3A_328 = tpu.memref_squeeze %dma_wait3A_327 : memref<1x16x1024xf32, #tpu.memory_space<hbm>> -> memref<16x1024xf32, #tpu.memory_space<hbm>>
    %dma_wait3A_329 = arith.constant 0 : i32
    %dma_wait3A_330 = tpu.memref_slice %arg4[%dma_wait3A_325, %add3A_275, %dma_wait3A_329] : memref<4x2048x1024xf32, #tpu.memory_space<hbm>> -> memref<1x16x1024xf32, #tpu.memory_space<hbm>>
    %dma_wait3A_331 = tpu.memref_squeeze %dma_wait3A_330 : memref<1x16x1024xf32, #tpu.memory_space<hbm>> -> memref<16x1024xf32, #tpu.memory_space<hbm>>
    tpu.wait_dma2 semaphore(%arg14 : memref<!tpu.dma_semaphore, #tpu.memory_space<semaphore_mem>>) src(%arg7 : memref<16x1024xf32, #tpu.memory_space<vmem>>) dst(%dma_wait3A_331 : memref<16x1024xf32, #tpu.memory_space<hbm>>)
    %add3A_332 = arith.constant 32 : i32
    %add3A_333 = arith.addi %mul3A_2, %add3A_332 : i32
    %dma_start3A_334 = arith.constant 2 : i32
    %dma_start3A_335 = arith.constant 0 : i32
    %dma_start3A_336 = tpu.memref_slice %arg2[%dma_start3A_334, %add3A_333, %dma_start3A_335] : memref<4x2048x1024xf32, #tpu.memory_space<hbm>> -> memref<1x16x1024xf32, #tpu.memory_space<hbm>>
    %dma_start3A_337 = tpu.memref_squeeze %dma_start3A_336 : memref<1x16x1024xf32, #tpu.memory_space<hbm>> -> memref<16x1024xf32, #tpu.memory_space<hbm>>
    %dma_start3A_338 = arith.constant 0 : i32
    %dma_start3A_339 = tpu.memref_slice %arg2[%dma_start3A_334, %add3A_333, %dma_start3A_338] : memref<4x2048x1024xf32, #tpu.memory_space<hbm>> -> memref<1x16x1024xf32, #tpu.memory_space<hbm>>
    %dma_start3A_340 = tpu.memref_squeeze %dma_start3A_339 : memref<1x16x1024xf32, #tpu.memory_space<hbm>> -> memref<16x1024xf32, #tpu.memory_space<hbm>>
    tpu.enqueue_dma source(%dma_start3A_340 : memref<16x1024xf32, #tpu.memory_space<hbm>>) target(%arg7 : memref<16x1024xf32, #tpu.memory_space<vmem>>) target_semaphore(%arg11 : memref<!tpu.dma_semaphore, #tpu.memory_space<semaphore_mem>>)
    %parallel_loop3A_341 = arith.constant 0 : i32
    %parallel_loop3A_342 = arith.constant 16384 : i32
    %parallel_loop3A_343 = arith.constant 16 : i32
    scf.for %parallel_loop3A_561 = %parallel_loop3A_341 to %parallel_loop3A_342 step %parallel_loop3A_343  : i32 {
      %parallel_loop3A_562 = arith.constant 10 : i32
      %parallel_loop3A_563 = arith.shrui %parallel_loop3A_561, %parallel_loop3A_562 : i32
      %parallel_loop3A_564 = arith.constant 1023 : i32
      %parallel_loop3A_565 = arith.andi %parallel_loop3A_561, %parallel_loop3A_564 : i32
      %parallel_loop3A_566 = tpu.assume_multiple %parallel_loop3A_565, 16 : i32
      %parallel_loop3A_567 = arith.constant 16 : i32
      %parallel_loop3A_568 = arith.addi %parallel_loop3A_567, %parallel_loop3A_563 : i32
      %parallel_loop3A_569 = arith.index_cast %parallel_loop3A_568 : i32 to index
      %parallel_loop3A_570 = arith.index_cast %parallel_loop3A_566 : i32 to index
      %parallel_loop3A_571 = tpu.vector_load %arg5[%parallel_loop3A_569, %parallel_loop3A_570] {strides = array<i32>} : memref<64x1024xf32, #tpu.memory_space<vmem>>, vector<1x16xf32>,
      %parallel_loop3A_572 = vector.shape_cast %parallel_loop3A_571 : vector<1x16xf32> to vector<16xf32>
      %parallel_loop3A_573 = arith.index_cast %parallel_loop3A_563 : i32 to index
      %parallel_loop3A_574 = arith.index_cast %parallel_loop3A_566 : i32 to index
      %parallel_loop3A_575 = tpu.vector_load %arg6[%parallel_loop3A_573, %parallel_loop3A_574] {strides = array<i32>} : memref<16x1024xf32, #tpu.memory_space<vmem>>, vector<1x16xf32>,
      %parallel_loop3A_576 = vector.shape_cast %parallel_loop3A_575 : vector<1x16xf32> to vector<16xf32>
      %parallel_loop3A_577 = vector.shape_cast %parallel_loop3A_572 : vector<16xf32> to vector<1x16xf32>
      tpu.vector_store %arg6[%parallel_loop3A_573, %parallel_loop3A_574], %parallel_loop3A_577 {add = true, strides = array<i32>} : memref<16x1024xf32, #tpu.memory_space<vmem>>, vector<1x16xf32>,
    } {sc.loop_unroll_factor = 8 : i64, sc.parallel_access}
    %add3A_344 = arith.constant 16 : i32
    %add3A_345 = arith.addi %mul3A_2, %add3A_344 : i32
    %dma_start3A_346 = arith.constant 2 : i32
    %dma_start3A_347 = arith.constant 0 : i32
    %dma_start3A_348 = tpu.memref_slice %arg4[%dma_start3A_346, %add3A_345, %dma_start3A_347] : memref<4x2048x1024xf32, #tpu.memory_space<hbm>> -> memref<1x16x1024xf32, #tpu.memory_space<hbm>>
    %dma_start3A_349 = tpu.memref_squeeze %dma_start3A_348 : memref<1x16x1024xf32, #tpu.memory_space<hbm>> -> memref<16x1024xf32, #tpu.memory_space<hbm>>
    %dma_start3A_350 = arith.constant 0 : i32
    %dma_start3A_351 = tpu.memref_slice %arg4[%dma_start3A_346, %add3A_345, %dma_start3A_350] : memref<4x2048x1024xf32, #tpu.memory_space<hbm>> -> memref<1x16x1024xf32, #tpu.memory_space<hbm>>
    %dma_start3A_352 = tpu.memref_squeeze %dma_start3A_351 : memref<1x16x1024xf32, #tpu.memory_space<hbm>> -> memref<16x1024xf32, #tpu.memory_space<hbm>>
    tpu.enqueue_dma source(%arg6 : memref<16x1024xf32, #tpu.memory_space<vmem>>) target(%dma_start3A_352 : memref<16x1024xf32, #tpu.memory_space<hbm>>) target_semaphore(%arg13 : memref<!tpu.dma_semaphore, #tpu.memory_space<semaphore_mem>>)
    %dma_wait3A_353 = arith.constant 2 : i32
    %dma_wait3A_354 = arith.constant 0 : i32
    %dma_wait3A_355 = tpu.memref_slice %arg2[%dma_wait3A_353, %add3A_333, %dma_wait3A_354] : memref<4x2048x1024xf32, #tpu.memory_space<hbm>> -> memref<1x16x1024xf32, #tpu.memory_space<hbm>>
    %dma_wait3A_356 = tpu.memref_squeeze %dma_wait3A_355 : memref<1x16x1024xf32, #tpu.memory_space<hbm>> -> memref<16x1024xf32, #tpu.memory_space<hbm>>
    %dma_wait3A_357 = arith.constant 0 : i32
    %dma_wait3A_358 = tpu.memref_slice %arg2[%dma_wait3A_353, %add3A_333, %dma_wait3A_357] : memref<4x2048x1024xf32, #tpu.memory_space<hbm>> -> memref<1x16x1024xf32, #tpu.memory_space<hbm>>
    %dma_wait3A_359 = tpu.memref_squeeze %dma_wait3A_358 : memref<1x16x1024xf32, #tpu.memory_space<hbm>> -> memref<16x1024xf32, #tpu.memory_space<hbm>>
    tpu.wait_dma2 semaphore(%arg11 : memref<!tpu.dma_semaphore, #tpu.memory_space<semaphore_mem>>) src(%dma_wait3A_359 : memref<16x1024xf32, #tpu.memory_space<hbm>>) dst(%arg7 : memref<16x1024xf32, #tpu.memory_space<vmem>>)
    %dma_wait3A_360 = arith.constant 2 : i32
    %dma_wait3A_361 = arith.constant 0 : i32
    %dma_wait3A_362 = tpu.memref_slice %arg4[%dma_wait3A_360, %add3A_310, %dma_wait3A_361] : memref<4x2048x1024xf32, #tpu.memory_space<hbm>> -> memref<1x16x1024xf32, #tpu.memory_space<hbm>>
    %dma_wait3A_363 = tpu.memref_squeeze %dma_wait3A_362 : memref<1x16x1024xf32, #tpu.memory_space<hbm>> -> memref<16x1024xf32, #tpu.memory_space<hbm>>
    %dma_wait3A_364 = arith.constant 0 : i32
    %dma_wait3A_365 = tpu.memref_slice %arg4[%dma_wait3A_360, %add3A_310, %dma_wait3A_364] : memref<4x2048x1024xf32, #tpu.memory_space<hbm>> -> memref<1x16x1024xf32, #tpu.memory_space<hbm>>
    %dma_wait3A_366 = tpu.memref_squeeze %dma_wait3A_365 : memref<1x16x1024xf32, #tpu.memory_space<hbm>> -> memref<16x1024xf32, #tpu.memory_space<hbm>>
    tpu.wait_dma2 semaphore(%arg15 : memref<!tpu.dma_semaphore, #tpu.memory_space<semaphore_mem>>) src(%arg8 : memref<16x1024xf32, #tpu.memory_space<vmem>>) dst(%dma_wait3A_366 : memref<16x1024xf32, #tpu.memory_space<hbm>>)
    %add3A_367 = arith.constant 48 : i32
    %add3A_368 = arith.addi %mul3A_2, %add3A_367 : i32
    %dma_start3A_369 = arith.constant 2 : i32
    %dma_start3A_370 = arith.constant 0 : i32
    %dma_start3A_371 = tpu.memref_slice %arg2[%dma_start3A_369, %add3A_368, %dma_start3A_370] : memref<4x2048x1024xf32, #tpu.memory_space<hbm>> -> memref<1x16x1024xf32, #tpu.memory_space<hbm>>
    %dma_start3A_372 = tpu.memref_squeeze %dma_start3A_371 : memref<1x16x1024xf32, #tpu.memory_space<hbm>> -> memref<16x1024xf32, #tpu.memory_space<hbm>>
    %dma_start3A_373 = arith.constant 0 : i32
    %dma_start3A_374 = tpu.memref_slice %arg2[%dma_start3A_369, %add3A_368, %dma_start3A_373] : memref<4x2048x1024xf32, #tpu.memory_space<hbm>> -> memref<1x16x1024xf32, #tpu.memory_space<hbm>>
    %dma_start3A_375 = tpu.memref_squeeze %dma_start3A_374 : memref<1x16x1024xf32, #tpu.memory_space<hbm>> -> memref<16x1024xf32, #tpu.memory_space<hbm>>
    tpu.enqueue_dma source(%dma_start3A_375 : memref<16x1024xf32, #tpu.memory_space<hbm>>) target(%arg8 : memref<16x1024xf32, #tpu.memory_space<vmem>>) target_semaphore(%arg12 : memref<!tpu.dma_semaphore, #tpu.memory_space<semaphore_mem>>)
    %parallel_loop3A_376 = arith.constant 0 : i32
    %parallel_loop3A_377 = arith.constant 16384 : i32
    %parallel_loop3A_378 = arith.constant 16 : i32
    scf.for %parallel_loop3A_561 = %parallel_loop3A_376 to %parallel_loop3A_377 step %parallel_loop3A_378  : i32 {
      %parallel_loop3A_562 = arith.constant 10 : i32
      %parallel_loop3A_563 = arith.shrui %parallel_loop3A_561, %parallel_loop3A_562 : i32
      %parallel_loop3A_564 = arith.constant 1023 : i32
      %parallel_loop3A_565 = arith.andi %parallel_loop3A_561, %parallel_loop3A_564 : i32
      %parallel_loop3A_566 = tpu.assume_multiple %parallel_loop3A_565, 16 : i32
      %parallel_loop3A_567 = arith.constant 32 : i32
      %parallel_loop3A_568 = arith.addi %parallel_loop3A_567, %parallel_loop3A_563 : i32
      %parallel_loop3A_569 = arith.index_cast %parallel_loop3A_568 : i32 to index
      %parallel_loop3A_570 = arith.index_cast %parallel_loop3A_566 : i32 to index
      %parallel_loop3A_571 = tpu.vector_load %arg5[%parallel_loop3A_569, %parallel_loop3A_570] {strides = array<i32>} : memref<64x1024xf32, #tpu.memory_space<vmem>>, vector<1x16xf32>,
      %parallel_loop3A_572 = vector.shape_cast %parallel_loop3A_571 : vector<1x16xf32> to vector<16xf32>
      %parallel_loop3A_573 = arith.index_cast %parallel_loop3A_563 : i32 to index
      %parallel_loop3A_574 = arith.index_cast %parallel_loop3A_566 : i32 to index
      %parallel_loop3A_575 = tpu.vector_load %arg7[%parallel_loop3A_573, %parallel_loop3A_574] {strides = array<i32>} : memref<16x1024xf32, #tpu.memory_space<vmem>>, vector<1x16xf32>,
      %parallel_loop3A_576 = vector.shape_cast %parallel_loop3A_575 : vector<1x16xf32> to vector<16xf32>
      %parallel_loop3A_577 = vector.shape_cast %parallel_loop3A_572 : vector<16xf32> to vector<1x16xf32>
      tpu.vector_store %arg7[%parallel_loop3A_573, %parallel_loop3A_574], %parallel_loop3A_577 {add = true, strides = array<i32>} : memref<16x1024xf32, #tpu.memory_space<vmem>>, vector<1x16xf32>,
    } {sc.loop_unroll_factor = 8 : i64, sc.parallel_access}
    %add3A_379 = arith.constant 32 : i32
    %add3A_380 = arith.addi %mul3A_2, %add3A_379 : i32
    %dma_start3A_381 = arith.constant 2 : i32
    %dma_start3A_382 = arith.constant 0 : i32
    %dma_start3A_383 = tpu.memref_slice %arg4[%dma_start3A_381, %add3A_380, %dma_start3A_382] : memref<4x2048x1024xf32, #tpu.memory_space<hbm>> -> memref<1x16x1024xf32, #tpu.memory_space<hbm>>
    %dma_start3A_384 = tpu.memref_squeeze %dma_start3A_383 : memref<1x16x1024xf32, #tpu.memory_space<hbm>> -> memref<16x1024xf32, #tpu.memory_space<hbm>>
    %dma_start3A_385 = arith.constant 0 : i32
    %dma_start3A_386 = tpu.memref_slice %arg4[%dma_start3A_381, %add3A_380, %dma_start3A_385] : memref<4x2048x1024xf32, #tpu.memory_space<hbm>> -> memref<1x16x1024xf32, #tpu.memory_space<hbm>>
    %dma_start3A_387 = tpu.memref_squeeze %dma_start3A_386 : memref<1x16x1024xf32, #tpu.memory_space<hbm>> -> memref<16x1024xf32, #tpu.memory_space<hbm>>
    tpu.enqueue_dma source(%arg7 : memref<16x1024xf32, #tpu.memory_space<vmem>>) target(%dma_start3A_387 : memref<16x1024xf32, #tpu.memory_space<hbm>>) target_semaphore(%arg14 : memref<!tpu.dma_semaphore, #tpu.memory_space<semaphore_mem>>)
    %dma_wait3A_388 = arith.constant 2 : i32
    %dma_wait3A_389 = arith.constant 0 : i32
    %dma_wait3A_390 = tpu.memref_slice %arg2[%dma_wait3A_388, %add3A_368, %dma_wait3A_389] : memref<4x2048x1024xf32, #tpu.memory_space<hbm>> -> memref<1x16x1024xf32, #tpu.memory_space<hbm>>
    %dma_wait3A_391 = tpu.memref_squeeze %dma_wait3A_390 : memref<1x16x1024xf32, #tpu.memory_space<hbm>> -> memref<16x1024xf32, #tpu.memory_space<hbm>>
    %dma_wait3A_392 = arith.constant 0 : i32
    %dma_wait3A_393 = tpu.memref_slice %arg2[%dma_wait3A_388, %add3A_368, %dma_wait3A_392] : memref<4x2048x1024xf32, #tpu.memory_space<hbm>> -> memref<1x16x1024xf32, #tpu.memory_space<hbm>>
    %dma_wait3A_394 = tpu.memref_squeeze %dma_wait3A_393 : memref<1x16x1024xf32, #tpu.memory_space<hbm>> -> memref<16x1024xf32, #tpu.memory_space<hbm>>
    tpu.wait_dma2 semaphore(%arg12 : memref<!tpu.dma_semaphore, #tpu.memory_space<semaphore_mem>>) src(%dma_wait3A_394 : memref<16x1024xf32, #tpu.memory_space<hbm>>) dst(%arg8 : memref<16x1024xf32, #tpu.memory_space<vmem>>)
    %dma_wait3A_395 = arith.constant 2 : i32
    %dma_wait3A_396 = arith.constant 0 : i32
    %dma_wait3A_397 = tpu.memref_slice %arg4[%dma_wait3A_395, %add3A_345, %dma_wait3A_396] : memref<4x2048x1024xf32, #tpu.memory_space<hbm>> -> memref<1x16x1024xf32, #tpu.memory_space<hbm>>
    %dma_wait3A_398 = tpu.memref_squeeze %dma_wait3A_397 : memref<1x16x1024xf32, #tpu.memory_space<hbm>> -> memref<16x1024xf32, #tpu.memory_space<hbm>>
    %dma_wait3A_399 = arith.constant 0 : i32
    %dma_wait3A_400 = tpu.memref_slice %arg4[%dma_wait3A_395, %add3A_345, %dma_wait3A_399] : memref<4x2048x1024xf32, #tpu.memory_space<hbm>> -> memref<1x16x1024xf32, #tpu.memory_space<hbm>>
    %dma_wait3A_401 = tpu.memref_squeeze %dma_wait3A_400 : memref<1x16x1024xf32, #tpu.memory_space<hbm>> -> memref<16x1024xf32, #tpu.memory_space<hbm>>
    tpu.wait_dma2 semaphore(%arg13 : memref<!tpu.dma_semaphore, #tpu.memory_space<semaphore_mem>>) src(%arg6 : memref<16x1024xf32, #tpu.memory_space<vmem>>) dst(%dma_wait3A_401 : memref<16x1024xf32, #tpu.memory_space<hbm>>)
    %add3A_402 = arith.constant 0 : i32
    %add3A_403 = arith.addi %mul3A_2, %add3A_402 : i32
    %dma_start3A_404 = arith.constant 3 : i32
    %dma_start3A_405 = arith.constant 0 : i32
    %dma_start3A_406 = tpu.memref_slice %arg2[%dma_start3A_404, %add3A_403, %dma_start3A_405] : memref<4x2048x1024xf32, #tpu.memory_space<hbm>> -> memref<1x16x1024xf32, #tpu.memory_space<hbm>>
    %dma_start3A_407 = tpu.memref_squeeze %dma_start3A_406 : memref<1x16x1024xf32, #tpu.memory_space<hbm>> -> memref<16x1024xf32, #tpu.memory_space<hbm>>
    %dma_start3A_408 = arith.constant 0 : i32
    %dma_start3A_409 = tpu.memref_slice %arg2[%dma_start3A_404, %add3A_403, %dma_start3A_408] : memref<4x2048x1024xf32, #tpu.memory_space<hbm>> -> memref<1x16x1024xf32, #tpu.memory_space<hbm>>
    %dma_start3A_410 = tpu.memref_squeeze %dma_start3A_409 : memref<1x16x1024xf32, #tpu.memory_space<hbm>> -> memref<16x1024xf32, #tpu.memory_space<hbm>>
    tpu.enqueue_dma source(%dma_start3A_410 : memref<16x1024xf32, #tpu.memory_space<hbm>>) target(%arg6 : memref<16x1024xf32, #tpu.memory_space<vmem>>) target_semaphore(%arg10 : memref<!tpu.dma_semaphore, #tpu.memory_space<semaphore_mem>>)
    %parallel_loop3A_411 = arith.constant 0 : i32
    %parallel_loop3A_412 = arith.constant 16384 : i32
    %parallel_loop3A_413 = arith.constant 16 : i32
    scf.for %parallel_loop3A_561 = %parallel_loop3A_411 to %parallel_loop3A_412 step %parallel_loop3A_413  : i32 {
      %parallel_loop3A_562 = arith.constant 10 : i32
      %parallel_loop3A_563 = arith.shrui %parallel_loop3A_561, %parallel_loop3A_562 : i32
      %parallel_loop3A_564 = arith.constant 1023 : i32
      %parallel_loop3A_565 = arith.andi %parallel_loop3A_561, %parallel_loop3A_564 : i32
      %parallel_loop3A_566 = tpu.assume_multiple %parallel_loop3A_565, 16 : i32
      %parallel_loop3A_567 = arith.constant 48 : i32
      %parallel_loop3A_568 = arith.addi %parallel_loop3A_567, %parallel_loop3A_563 : i32
      %parallel_loop3A_569 = arith.index_cast %parallel_loop3A_568 : i32 to index
      %parallel_loop3A_570 = arith.index_cast %parallel_loop3A_566 : i32 to index
      %parallel_loop3A_571 = tpu.vector_load %arg5[%parallel_loop3A_569, %parallel_loop3A_570] {strides = array<i32>} : memref<64x1024xf32, #tpu.memory_space<vmem>>, vector<1x16xf32>,
      %parallel_loop3A_572 = vector.shape_cast %parallel_loop3A_571 : vector<1x16xf32> to vector<16xf32>
      %parallel_loop3A_573 = arith.index_cast %parallel_loop3A_563 : i32 to index
      %parallel_loop3A_574 = arith.index_cast %parallel_loop3A_566 : i32 to index
      %parallel_loop3A_575 = tpu.vector_load %arg8[%parallel_loop3A_573, %parallel_loop3A_574] {strides = array<i32>} : memref<16x1024xf32, #tpu.memory_space<vmem>>, vector<1x16xf32>,
      %parallel_loop3A_576 = vector.shape_cast %parallel_loop3A_575 : vector<1x16xf32> to vector<16xf32>
      %parallel_loop3A_577 = vector.shape_cast %parallel_loop3A_572 : vector<16xf32> to vector<1x16xf32>
      tpu.vector_store %arg8[%parallel_loop3A_573, %parallel_loop3A_574], %parallel_loop3A_577 {add = true, strides = array<i32>} : memref<16x1024xf32, #tpu.memory_space<vmem>>, vector<1x16xf32>,
    } {sc.loop_unroll_factor = 8 : i64, sc.parallel_access}
    %add3A_414 = arith.constant 48 : i32
    %add3A_415 = arith.addi %mul3A_2, %add3A_414 : i32
    %dma_start3A_416 = arith.constant 2 : i32
    %dma_start3A_417 = arith.constant 0 : i32
    %dma_start3A_418 = tpu.memref_slice %arg4[%dma_start3A_416, %add3A_415, %dma_start3A_417] : memref<4x2048x1024xf32, #tpu.memory_space<hbm>> -> memref<1x16x1024xf32, #tpu.memory_space<hbm>>
    %dma_start3A_419 = tpu.memref_squeeze %dma_start3A_418 : memref<1x16x1024xf32, #tpu.memory_space<hbm>> -> memref<16x1024xf32, #tpu.memory_space<hbm>>
    %dma_start3A_420 = arith.constant 0 : i32
    %dma_start3A_421 = tpu.memref_slice %arg4[%dma_start3A_416, %add3A_415, %dma_start3A_420] : memref<4x2048x1024xf32, #tpu.memory_space<hbm>> -> memref<1x16x1024xf32, #tpu.memory_space<hbm>>
    %dma_start3A_422 = tpu.memref_squeeze %dma_start3A_421 : memref<1x16x1024xf32, #tpu.memory_space<hbm>> -> memref<16x1024xf32, #tpu.memory_space<hbm>>
    tpu.enqueue_dma source(%arg8 : memref<16x1024xf32, #tpu.memory_space<vmem>>) target(%dma_start3A_422 : memref<16x1024xf32, #tpu.memory_space<hbm>>) target_semaphore(%arg15 : memref<!tpu.dma_semaphore, #tpu.memory_space<semaphore_mem>>)
    %dma_wait3A_423 = arith.constant 3 : i32
    %dma_wait3A_424 = arith.constant 0 : i32
    %dma_wait3A_425 = tpu.memref_slice %arg2[%dma_wait3A_423, %add3A_403, %dma_wait3A_424] : memref<4x2048x1024xf32, #tpu.memory_space<hbm>> -> memref<1x16x1024xf32, #tpu.memory_space<hbm>>
    %dma_wait3A_426 = tpu.memref_squeeze %dma_wait3A_425 : memref<1x16x1024xf32, #tpu.memory_space<hbm>> -> memref<16x1024xf32, #tpu.memory_space<hbm>>
    %dma_wait3A_427 = arith.constant 0 : i32
    %dma_wait3A_428 = tpu.memref_slice %arg2[%dma_wait3A_423, %add3A_403, %dma_wait3A_427] : memref<4x2048x1024xf32, #tpu.memory_space<hbm>> -> memref<1x16x1024xf32, #tpu.memory_space<hbm>>
    %dma_wait3A_429 = tpu.memref_squeeze %dma_wait3A_428 : memref<1x16x1024xf32, #tpu.memory_space<hbm>> -> memref<16x1024xf32, #tpu.memory_space<hbm>>
    tpu.wait_dma2 semaphore(%arg10 : memref<!tpu.dma_semaphore, #tpu.memory_space<semaphore_mem>>) src(%dma_wait3A_429 : memref<16x1024xf32, #tpu.memory_space<hbm>>) dst(%arg6 : memref<16x1024xf32, #tpu.memory_space<vmem>>)
    %dma_wait3A_430 = arith.constant 2 : i32
    %dma_wait3A_431 = arith.constant 0 : i32
    %dma_wait3A_432 = tpu.memref_slice %arg4[%dma_wait3A_430, %add3A_380, %dma_wait3A_431] : memref<4x2048x1024xf32, #tpu.memory_space<hbm>> -> memref<1x16x1024xf32, #tpu.memory_space<hbm>>
    %dma_wait3A_433 = tpu.memref_squeeze %dma_wait3A_432 : memref<1x16x1024xf32, #tpu.memory_space<hbm>> -> memref<16x1024xf32, #tpu.memory_space<hbm>>
    %dma_wait3A_434 = arith.constant 0 : i32
    %dma_wait3A_435 = tpu.memref_slice %arg4[%dma_wait3A_430, %add3A_380, %dma_wait3A_434] : memref<4x2048x1024xf32, #tpu.memory_space<hbm>> -> memref<1x16x1024xf32, #tpu.memory_space<hbm>>
    %dma_wait3A_436 = tpu.memref_squeeze %dma_wait3A_435 : memref<1x16x1024xf32, #tpu.memory_space<hbm>> -> memref<16x1024xf32, #tpu.memory_space<hbm>>
    tpu.wait_dma2 semaphore(%arg14 : memref<!tpu.dma_semaphore, #tpu.memory_space<semaphore_mem>>) src(%arg7 : memref<16x1024xf32, #tpu.memory_space<vmem>>) dst(%dma_wait3A_436 : memref<16x1024xf32, #tpu.memory_space<hbm>>)
    %add3A_437 = arith.constant 16 : i32
    %add3A_438 = arith.addi %mul3A_2, %add3A_437 : i32
    %dma_start3A_439 = arith.constant 3 : i32
    %dma_start3A_440 = arith.constant 0 : i32
    %dma_start3A_441 = tpu.memref_slice %arg2[%dma_start3A_439, %add3A_438, %dma_start3A_440] : memref<4x2048x1024xf32, #tpu.memory_space<hbm>> -> memref<1x16x1024xf32, #tpu.memory_space<hbm>>
    %dma_start3A_442 = tpu.memref_squeeze %dma_start3A_441 : memref<1x16x1024xf32, #tpu.memory_space<hbm>> -> memref<16x1024xf32, #tpu.memory_space<hbm>>
    %dma_start3A_443 = arith.constant 0 : i32
    %dma_start3A_444 = tpu.memref_slice %arg2[%dma_start3A_439, %add3A_438, %dma_start3A_443] : memref<4x2048x1024xf32, #tpu.memory_space<hbm>> -> memref<1x16x1024xf32, #tpu.memory_space<hbm>>
    %dma_start3A_445 = tpu.memref_squeeze %dma_start3A_444 : memref<1x16x1024xf32, #tpu.memory_space<hbm>> -> memref<16x1024xf32, #tpu.memory_space<hbm>>
    tpu.enqueue_dma source(%dma_start3A_445 : memref<16x1024xf32, #tpu.memory_space<hbm>>) target(%arg7 : memref<16x1024xf32, #tpu.memory_space<vmem>>) target_semaphore(%arg11 : memref<!tpu.dma_semaphore, #tpu.memory_space<semaphore_mem>>)
    %parallel_loop3A_446 = arith.constant 0 : i32
    %parallel_loop3A_447 = arith.constant 16384 : i32
    %parallel_loop3A_448 = arith.constant 16 : i32
    scf.for %parallel_loop3A_561 = %parallel_loop3A_446 to %parallel_loop3A_447 step %parallel_loop3A_448  : i32 {
      %parallel_loop3A_562 = arith.constant 10 : i32
      %parallel_loop3A_563 = arith.shrui %parallel_loop3A_561, %parallel_loop3A_562 : i32
      %parallel_loop3A_564 = arith.constant 1023 : i32
      %parallel_loop3A_565 = arith.andi %parallel_loop3A_561, %parallel_loop3A_564 : i32
      %parallel_loop3A_566 = tpu.assume_multiple %parallel_loop3A_565, 16 : i32
      %parallel_loop3A_567 = arith.constant 0 : i32
      %parallel_loop3A_568 = arith.addi %parallel_loop3A_567, %parallel_loop3A_563 : i32
      %parallel_loop3A_569 = arith.index_cast %parallel_loop3A_568 : i32 to index
      %parallel_loop3A_570 = arith.index_cast %parallel_loop3A_566 : i32 to index
      %parallel_loop3A_571 = tpu.vector_load %arg5[%parallel_loop3A_569, %parallel_loop3A_570] {strides = array<i32>} : memref<64x1024xf32, #tpu.memory_space<vmem>>, vector<1x16xf32>,
      %parallel_loop3A_572 = vector.shape_cast %parallel_loop3A_571 : vector<1x16xf32> to vector<16xf32>
      %parallel_loop3A_573 = arith.index_cast %parallel_loop3A_563 : i32 to index
      %parallel_loop3A_574 = arith.index_cast %parallel_loop3A_566 : i32 to index
      %parallel_loop3A_575 = tpu.vector_load %arg6[%parallel_loop3A_573, %parallel_loop3A_574] {strides = array<i32>} : memref<16x1024xf32, #tpu.memory_space<vmem>>, vector<1x16xf32>,
      %parallel_loop3A_576 = vector.shape_cast %parallel_loop3A_575 : vector<1x16xf32> to vector<16xf32>
      %parallel_loop3A_577 = vector.shape_cast %parallel_loop3A_572 : vector<16xf32> to vector<1x16xf32>
      tpu.vector_store %arg6[%parallel_loop3A_573, %parallel_loop3A_574], %parallel_loop3A_577 {add = true, strides = array<i32>} : memref<16x1024xf32, #tpu.memory_space<vmem>>, vector<1x16xf32>,
    } {sc.loop_unroll_factor = 8 : i64, sc.parallel_access}
    %add3A_449 = arith.constant 0 : i32
    %add3A_450 = arith.addi %mul3A_2, %add3A_449 : i32
    %dma_start3A_451 = arith.constant 3 : i32
    %dma_start3A_452 = arith.constant 0 : i32
    %dma_start3A_453 = tpu.memref_slice %arg4[%dma_start3A_451, %add3A_450, %dma_start3A_452] : memref<4x2048x1024xf32, #tpu.memory_space<hbm>> -> memref<1x16x1024xf32, #tpu.memory_space<hbm>>
    %dma_start3A_454 = tpu.memref_squeeze %dma_start3A_453 : memref<1x16x1024xf32, #tpu.memory_space<hbm>> -> memref<16x1024xf32, #tpu.memory_space<hbm>>
    %dma_start3A_455 = arith.constant 0 : i32
    %dma_start3A_456 = tpu.memref_slice %arg4[%dma_start3A_451, %add3A_450, %dma_start3A_455] : memref<4x2048x1024xf32, #tpu.memory_space<hbm>> -> memref<1x16x1024xf32, #tpu.memory_space<hbm>>
    %dma_start3A_457 = tpu.memref_squeeze %dma_start3A_456 : memref<1x16x1024xf32, #tpu.memory_space<hbm>> -> memref<16x1024xf32, #tpu.memory_space<hbm>>
    tpu.enqueue_dma source(%arg6 : memref<16x1024xf32, #tpu.memory_space<vmem>>) target(%dma_start3A_457 : memref<16x1024xf32, #tpu.memory_space<hbm>>) target_semaphore(%arg13 : memref<!tpu.dma_semaphore, #tpu.memory_space<semaphore_mem>>)
    %dma_wait3A_458 = arith.constant 3 : i32
    %dma_wait3A_459 = arith.constant 0 : i32
    %dma_wait3A_460 = tpu.memref_slice %arg2[%dma_wait3A_458, %add3A_438, %dma_wait3A_459] : memref<4x2048x1024xf32, #tpu.memory_space<hbm>> -> memref<1x16x1024xf32, #tpu.memory_space<hbm>>
    %dma_wait3A_461 = tpu.memref_squeeze %dma_wait3A_460 : memref<1x16x1024xf32, #tpu.memory_space<hbm>> -> memref<16x1024xf32, #tpu.memory_space<hbm>>
    %dma_wait3A_462 = arith.constant 0 : i32
    %dma_wait3A_463 = tpu.memref_slice %arg2[%dma_wait3A_458, %add3A_438, %dma_wait3A_462] : memref<4x2048x1024xf32, #tpu.memory_space<hbm>> -> memref<1x16x1024xf32, #tpu.memory_space<hbm>>
    %dma_wait3A_464 = tpu.memref_squeeze %dma_wait3A_463 : memref<1x16x1024xf32, #tpu.memory_space<hbm>> -> memref<16x1024xf32, #tpu.memory_space<hbm>>
    tpu.wait_dma2 semaphore(%arg11 : memref<!tpu.dma_semaphore, #tpu.memory_space<semaphore_mem>>) src(%dma_wait3A_464 : memref<16x1024xf32, #tpu.memory_space<hbm>>) dst(%arg7 : memref<16x1024xf32, #tpu.memory_space<vmem>>)
    %dma_wait3A_465 = arith.constant 2 : i32
    %dma_wait3A_466 = arith.constant 0 : i32
    %dma_wait3A_467 = tpu.memref_slice %arg4[%dma_wait3A_465, %add3A_415, %dma_wait3A_466] : memref<4x2048x1024xf32, #tpu.memory_space<hbm>> -> memref<1x16x1024xf32, #tpu.memory_space<hbm>>
    %dma_wait3A_468 = tpu.memref_squeeze %dma_wait3A_467 : memref<1x16x1024xf32, #tpu.memory_space<hbm>> -> memref<16x1024xf32, #tpu.memory_space<hbm>>
    %dma_wait3A_469 = arith.constant 0 : i32
    %dma_wait3A_470 = tpu.memref_slice %arg4[%dma_wait3A_465, %add3A_415, %dma_wait3A_469] : memref<4x2048x1024xf32, #tpu.memory_space<hbm>> -> memref<1x16x1024xf32, #tpu.memory_space<hbm>>
    %dma_wait3A_471 = tpu.memref_squeeze %dma_wait3A_470 : memref<1x16x1024xf32, #tpu.memory_space<hbm>> -> memref<16x1024xf32, #tpu.memory_space<hbm>>
    tpu.wait_dma2 semaphore(%arg15 : memref<!tpu.dma_semaphore, #tpu.memory_space<semaphore_mem>>) src(%arg8 : memref<16x1024xf32, #tpu.memory_space<vmem>>) dst(%dma_wait3A_471 : memref<16x1024xf32, #tpu.memory_space<hbm>>)
    %add3A_472 = arith.constant 32 : i32
    %add3A_473 = arith.addi %mul3A_2, %add3A_472 : i32
    %dma_start3A_474 = arith.constant 3 : i32
    %dma_start3A_475 = arith.constant 0 : i32
    %dma_start3A_476 = tpu.memref_slice %arg2[%dma_start3A_474, %add3A_473, %dma_start3A_475] : memref<4x2048x1024xf32, #tpu.memory_space<hbm>> -> memref<1x16x1024xf32, #tpu.memory_space<hbm>>
    %dma_start3A_477 = tpu.memref_squeeze %dma_start3A_476 : memref<1x16x1024xf32, #tpu.memory_space<hbm>> -> memref<16x1024xf32, #tpu.memory_space<hbm>>
    %dma_start3A_478 = arith.constant 0 : i32
    %dma_start3A_479 = tpu.memref_slice %arg2[%dma_start3A_474, %add3A_473, %dma_start3A_478] : memref<4x2048x1024xf32, #tpu.memory_space<hbm>> -> memref<1x16x1024xf32, #tpu.memory_space<hbm>>
    %dma_start3A_480 = tpu.memref_squeeze %dma_start3A_479 : memref<1x16x1024xf32, #tpu.memory_space<hbm>> -> memref<16x1024xf32, #tpu.memory_space<hbm>>
    tpu.enqueue_dma source(%dma_start3A_480 : memref<16x1024xf32, #tpu.memory_space<hbm>>) target(%arg8 : memref<16x1024xf32, #tpu.memory_space<vmem>>) target_semaphore(%arg12 : memref<!tpu.dma_semaphore, #tpu.memory_space<semaphore_mem>>)
    %parallel_loop3A_481 = arith.constant 0 : i32
    %parallel_loop3A_482 = arith.constant 16384 : i32
    %parallel_loop3A_483 = arith.constant 16 : i32
    scf.for %parallel_loop3A_561 = %parallel_loop3A_481 to %parallel_loop3A_482 step %parallel_loop3A_483  : i32 {
      %parallel_loop3A_562 = arith.constant 10 : i32
      %parallel_loop3A_563 = arith.shrui %parallel_loop3A_561, %parallel_loop3A_562 : i32
      %parallel_loop3A_564 = arith.constant 1023 : i32
      %parallel_loop3A_565 = arith.andi %parallel_loop3A_561, %parallel_loop3A_564 : i32
      %parallel_loop3A_566 = tpu.assume_multiple %parallel_loop3A_565, 16 : i32
      %parallel_loop3A_567 = arith.constant 16 : i32
      %parallel_loop3A_568 = arith.addi %parallel_loop3A_567, %parallel_loop3A_563 : i32
      %parallel_loop3A_569 = arith.index_cast %parallel_loop3A_568 : i32 to index
      %parallel_loop3A_570 = arith.index_cast %parallel_loop3A_566 : i32 to index
      %parallel_loop3A_571 = tpu.vector_load %arg5[%parallel_loop3A_569, %parallel_loop3A_570] {strides = array<i32>} : memref<64x1024xf32, #tpu.memory_space<vmem>>, vector<1x16xf32>,
      %parallel_loop3A_572 = vector.shape_cast %parallel_loop3A_571 : vector<1x16xf32> to vector<16xf32>
      %parallel_loop3A_573 = arith.index_cast %parallel_loop3A_563 : i32 to index
      %parallel_loop3A_574 = arith.index_cast %parallel_loop3A_566 : i32 to index
      %parallel_loop3A_575 = tpu.vector_load %arg7[%parallel_loop3A_573, %parallel_loop3A_574] {strides = array<i32>} : memref<16x1024xf32, #tpu.memory_space<vmem>>, vector<1x16xf32>,
      %parallel_loop3A_576 = vector.shape_cast %parallel_loop3A_575 : vector<1x16xf32> to vector<16xf32>
      %parallel_loop3A_577 = vector.shape_cast %parallel_loop3A_572 : vector<16xf32> to vector<1x16xf32>
      tpu.vector_store %arg7[%parallel_loop3A_573, %parallel_loop3A_574], %parallel_loop3A_577 {add = true, strides = array<i32>} : memref<16x1024xf32, #tpu.memory_space<vmem>>, vector<1x16xf32>,
    } {sc.loop_unroll_factor = 8 : i64, sc.parallel_access}
    %add3A_484 = arith.constant 16 : i32
    %add3A_485 = arith.addi %mul3A_2, %add3A_484 : i32
    %dma_start3A_486 = arith.constant 3 : i32
    %dma_start3A_487 = arith.constant 0 : i32
    %dma_start3A_488 = tpu.memref_slice %arg4[%dma_start3A_486, %add3A_485, %dma_start3A_487] : memref<4x2048x1024xf32, #tpu.memory_space<hbm>> -> memref<1x16x1024xf32, #tpu.memory_space<hbm>>
    %dma_start3A_489 = tpu.memref_squeeze %dma_start3A_488 : memref<1x16x1024xf32, #tpu.memory_space<hbm>> -> memref<16x1024xf32, #tpu.memory_space<hbm>>
    %dma_start3A_490 = arith.constant 0 : i32
    %dma_start3A_491 = tpu.memref_slice %arg4[%dma_start3A_486, %add3A_485, %dma_start3A_490] : memref<4x2048x1024xf32, #tpu.memory_space<hbm>> -> memref<1x16x1024xf32, #tpu.memory_space<hbm>>
    %dma_start3A_492 = tpu.memref_squeeze %dma_start3A_491 : memref<1x16x1024xf32, #tpu.memory_space<hbm>> -> memref<16x1024xf32, #tpu.memory_space<hbm>>
    tpu.enqueue_dma source(%arg7 : memref<16x1024xf32, #tpu.memory_space<vmem>>) target(%dma_start3A_492 : memref<16x1024xf32, #tpu.memory_space<hbm>>) target_semaphore(%arg14 : memref<!tpu.dma_semaphore, #tpu.memory_space<semaphore_mem>>)
    %dma_wait3A_493 = arith.constant 3 : i32
    %dma_wait3A_494 = arith.constant 0 : i32
    %dma_wait3A_495 = tpu.memref_slice %arg2[%dma_wait3A_493, %add3A_473, %dma_wait3A_494] : memref<4x2048x1024xf32, #tpu.memory_space<hbm>> -> memref<1x16x1024xf32, #tpu.memory_space<hbm>>
    %dma_wait3A_496 = tpu.memref_squeeze %dma_wait3A_495 : memref<1x16x1024xf32, #tpu.memory_space<hbm>> -> memref<16x1024xf32, #tpu.memory_space<hbm>>
    %dma_wait3A_497 = arith.constant 0 : i32
    %dma_wait3A_498 = tpu.memref_slice %arg2[%dma_wait3A_493, %add3A_473, %dma_wait3A_497] : memref<4x2048x1024xf32, #tpu.memory_space<hbm>> -> memref<1x16x1024xf32, #tpu.memory_space<hbm>>
    %dma_wait3A_499 = tpu.memref_squeeze %dma_wait3A_498 : memref<1x16x1024xf32, #tpu.memory_space<hbm>> -> memref<16x1024xf32, #tpu.memory_space<hbm>>
    tpu.wait_dma2 semaphore(%arg12 : memref<!tpu.dma_semaphore, #tpu.memory_space<semaphore_mem>>) src(%dma_wait3A_499 : memref<16x1024xf32, #tpu.memory_space<hbm>>) dst(%arg8 : memref<16x1024xf32, #tpu.memory_space<vmem>>)
    %dma_wait3A_500 = arith.constant 3 : i32
    %dma_wait3A_501 = arith.constant 0 : i32
    %dma_wait3A_502 = tpu.memref_slice %arg4[%dma_wait3A_500, %add3A_450, %dma_wait3A_501] : memref<4x2048x1024xf32, #tpu.memory_space<hbm>> -> memref<1x16x1024xf32, #tpu.memory_space<hbm>>
    %dma_wait3A_503 = tpu.memref_squeeze %dma_wait3A_502 : memref<1x16x1024xf32, #tpu.memory_space<hbm>> -> memref<16x1024xf32, #tpu.memory_space<hbm>>
    %dma_wait3A_504 = arith.constant 0 : i32
    %dma_wait3A_505 = tpu.memref_slice %arg4[%dma_wait3A_500, %add3A_450, %dma_wait3A_504] : memref<4x2048x1024xf32, #tpu.memory_space<hbm>> -> memref<1x16x1024xf32, #tpu.memory_space<hbm>>
    %dma_wait3A_506 = tpu.memref_squeeze %dma_wait3A_505 : memref<1x16x1024xf32, #tpu.memory_space<hbm>> -> memref<16x1024xf32, #tpu.memory_space<hbm>>
    tpu.wait_dma2 semaphore(%arg13 : memref<!tpu.dma_semaphore, #tpu.memory_space<semaphore_mem>>) src(%arg6 : memref<16x1024xf32, #tpu.memory_space<vmem>>) dst(%dma_wait3A_506 : memref<16x1024xf32, #tpu.memory_space<hbm>>)
    %add3A_507 = arith.constant 48 : i32
    %add3A_508 = arith.addi %mul3A_2, %add3A_507 : i32
    %dma_start3A_509 = arith.constant 3 : i32
    %dma_start3A_510 = arith.constant 0 : i32
    %dma_start3A_511 = tpu.memref_slice %arg2[%dma_start3A_509, %add3A_508, %dma_start3A_510] : memref<4x2048x1024xf32, #tpu.memory_space<hbm>> -> memref<1x16x1024xf32, #tpu.memory_space<hbm>>
    %dma_start3A_512 = tpu.memref_squeeze %dma_start3A_511 : memref<1x16x1024xf32, #tpu.memory_space<hbm>> -> memref<16x1024xf32, #tpu.memory_space<hbm>>
    %dma_start3A_513 = arith.constant 0 : i32
    %dma_start3A_514 = tpu.memref_slice %arg2[%dma_start3A_509, %add3A_508, %dma_start3A_513] : memref<4x2048x1024xf32, #tpu.memory_space<hbm>> -> memref<1x16x1024xf32, #tpu.memory_space<hbm>>
    %dma_start3A_515 = tpu.memref_squeeze %dma_start3A_514 : memref<1x16x1024xf32, #tpu.memory_space<hbm>> -> memref<16x1024xf32, #tpu.memory_space<hbm>>
    tpu.enqueue_dma source(%dma_start3A_515 : memref<16x1024xf32, #tpu.memory_space<hbm>>) target(%arg6 : memref<16x1024xf32, #tpu.memory_space<vmem>>) target_semaphore(%arg10 : memref<!tpu.dma_semaphore, #tpu.memory_space<semaphore_mem>>)
    %parallel_loop3A_516 = arith.constant 0 : i32
    %parallel_loop3A_517 = arith.constant 16384 : i32
    %parallel_loop3A_518 = arith.constant 16 : i32
    scf.for %parallel_loop3A_561 = %parallel_loop3A_516 to %parallel_loop3A_517 step %parallel_loop3A_518  : i32 {
      %parallel_loop3A_562 = arith.constant 10 : i32
      %parallel_loop3A_563 = arith.shrui %parallel_loop3A_561, %parallel_loop3A_562 : i32
      %parallel_loop3A_564 = arith.constant 1023 : i32
      %parallel_loop3A_565 = arith.andi %parallel_loop3A_561, %parallel_loop3A_564 : i32
      %parallel_loop3A_566 = tpu.assume_multiple %parallel_loop3A_565, 16 : i32
      %parallel_loop3A_567 = arith.constant 32 : i32
      %parallel_loop3A_568 = arith.addi %parallel_loop3A_567, %parallel_loop3A_563 : i32
      %parallel_loop3A_569 = arith.index_cast %parallel_loop3A_568 : i32 to index
      %parallel_loop3A_570 = arith.index_cast %parallel_loop3A_566 : i32 to index
      %parallel_loop3A_571 = tpu.vector_load %arg5[%parallel_loop3A_569, %parallel_loop3A_570] {strides = array<i32>} : memref<64x1024xf32, #tpu.memory_space<vmem>>, vector<1x16xf32>,
      %parallel_loop3A_572 = vector.shape_cast %parallel_loop3A_571 : vector<1x16xf32> to vector<16xf32>
      %parallel_loop3A_573 = arith.index_cast %parallel_loop3A_563 : i32 to index
      %parallel_loop3A_574 = arith.index_cast %parallel_loop3A_566 : i32 to index
      %parallel_loop3A_575 = tpu.vector_load %arg8[%parallel_loop3A_573, %parallel_loop3A_574] {strides = array<i32>} : memref<16x1024xf32, #tpu.memory_space<vmem>>, vector<1x16xf32>,
      %parallel_loop3A_576 = vector.shape_cast %parallel_loop3A_575 : vector<1x16xf32> to vector<16xf32>
      %parallel_loop3A_577 = vector.shape_cast %parallel_loop3A_572 : vector<16xf32> to vector<1x16xf32>
      tpu.vector_store %arg8[%parallel_loop3A_573, %parallel_loop3A_574], %parallel_loop3A_577 {add = true, strides = array<i32>} : memref<16x1024xf32, #tpu.memory_space<vmem>>, vector<1x16xf32>,
    } {sc.loop_unroll_factor = 8 : i64, sc.parallel_access}
    %add3A_519 = arith.constant 32 : i32
    %add3A_520 = arith.addi %mul3A_2, %add3A_519 : i32
    %dma_start3A_521 = arith.constant 3 : i32
    %dma_start3A_522 = arith.constant 0 : i32
    %dma_start3A_523 = tpu.memref_slice %arg4[%dma_start3A_521, %add3A_520, %dma_start3A_522] : memref<4x2048x1024xf32, #tpu.memory_space<hbm>> -> memref<1x16x1024xf32, #tpu.memory_space<hbm>>
    %dma_start3A_524 = tpu.memref_squeeze %dma_start3A_523 : memref<1x16x1024xf32, #tpu.memory_space<hbm>> -> memref<16x1024xf32, #tpu.memory_space<hbm>>
    %dma_start3A_525 = arith.constant 0 : i32
    %dma_start3A_526 = tpu.memref_slice %arg4[%dma_start3A_521, %add3A_520, %dma_start3A_525] : memref<4x2048x1024xf32, #tpu.memory_space<hbm>> -> memref<1x16x1024xf32, #tpu.memory_space<hbm>>
    %dma_start3A_527 = tpu.memref_squeeze %dma_start3A_526 : memref<1x16x1024xf32, #tpu.memory_space<hbm>> -> memref<16x1024xf32, #tpu.memory_space<hbm>>
    tpu.enqueue_dma source(%arg8 : memref<16x1024xf32, #tpu.memory_space<vmem>>) target(%dma_start3A_527 : memref<16x1024xf32, #tpu.memory_space<hbm>>) target_semaphore(%arg15 : memref<!tpu.dma_semaphore, #tpu.memory_space<semaphore_mem>>)
    %dma_wait3A_528 = arith.constant 3 : i32
    %dma_wait3A_529 = arith.constant 0 : i32
    %dma_wait3A_530 = tpu.memref_slice %arg2[%dma_wait3A_528, %add3A_508, %dma_wait3A_529] : memref<4x2048x1024xf32, #tpu.memory_space<hbm>> -> memref<1x16x1024xf32, #tpu.memory_space<hbm>>
    %dma_wait3A_531 = tpu.memref_squeeze %dma_wait3A_530 : memref<1x16x1024xf32, #tpu.memory_space<hbm>> -> memref<16x1024xf32, #tpu.memory_space<hbm>>
    %dma_wait3A_532 = arith.constant 0 : i32
    %dma_wait3A_533 = tpu.memref_slice %arg2[%dma_wait3A_528, %add3A_508, %dma_wait3A_532] : memref<4x2048x1024xf32, #tpu.memory_space<hbm>> -> memref<1x16x1024xf32, #tpu.memory_space<hbm>>
    %dma_wait3A_534 = tpu.memref_squeeze %dma_wait3A_533 : memref<1x16x1024xf32, #tpu.memory_space<hbm>> -> memref<16x1024xf32, #tpu.memory_space<hbm>>
    tpu.wait_dma2 semaphore(%arg10 : memref<!tpu.dma_semaphore, #tpu.memory_space<semaphore_mem>>) src(%dma_wait3A_534 : memref<16x1024xf32, #tpu.memory_space<hbm>>) dst(%arg6 : memref<16x1024xf32, #tpu.memory_space<vmem>>)
    %parallel_loop3A_535 = arith.constant 0 : i32
    %parallel_loop3A_536 = arith.constant 16384 : i32
    %parallel_loop3A_537 = arith.constant 16 : i32
    scf.for %parallel_loop3A_561 = %parallel_loop3A_535 to %parallel_loop3A_536 step %parallel_loop3A_537  : i32 {
      %parallel_loop3A_562 = arith.constant 10 : i32
      %parallel_loop3A_563 = arith.shrui %parallel_loop3A_561, %parallel_loop3A_562 : i32
      %parallel_loop3A_564 = arith.constant 1023 : i32
      %parallel_loop3A_565 = arith.andi %parallel_loop3A_561, %parallel_loop3A_564 : i32
      %parallel_loop3A_566 = tpu.assume_multiple %parallel_loop3A_565, 16 : i32
      %parallel_loop3A_567 = arith.constant 48 : i32
      %parallel_loop3A_568 = arith.addi %parallel_loop3A_567, %parallel_loop3A_563 : i32
      %parallel_loop3A_569 = arith.index_cast %parallel_loop3A_568 : i32 to index
      %parallel_loop3A_570 = arith.index_cast %parallel_loop3A_566 : i32 to index
      %parallel_loop3A_571 = tpu.vector_load %arg5[%parallel_loop3A_569, %parallel_loop3A_570] {strides = array<i32>} : memref<64x1024xf32, #tpu.memory_space<vmem>>, vector<1x16xf32>,
      %parallel_loop3A_572 = vector.shape_cast %parallel_loop3A_571 : vector<1x16xf32> to vector<16xf32>
      %parallel_loop3A_573 = arith.index_cast %parallel_loop3A_563 : i32 to index
      %parallel_loop3A_574 = arith.index_cast %parallel_loop3A_566 : i32 to index
      %parallel_loop3A_575 = tpu.vector_load %arg6[%parallel_loop3A_573, %parallel_loop3A_574] {strides = array<i32>} : memref<16x1024xf32, #tpu.memory_space<vmem>>, vector<1x16xf32>,
      %parallel_loop3A_576 = vector.shape_cast %parallel_loop3A_575 : vector<1x16xf32> to vector<16xf32>
      %parallel_loop3A_577 = vector.shape_cast %parallel_loop3A_572 : vector<16xf32> to vector<1x16xf32>
      tpu.vector_store %arg6[%parallel_loop3A_573, %parallel_loop3A_574], %parallel_loop3A_577 {add = true, strides = array<i32>} : memref<16x1024xf32, #tpu.memory_space<vmem>>, vector<1x16xf32>,
    } {sc.loop_unroll_factor = 8 : i64, sc.parallel_access}
    %add3A_538 = arith.constant 48 : i32
    %add3A_539 = arith.addi %mul3A_2, %add3A_538 : i32
    %dma_start3A_540 = arith.constant 3 : i32
    %dma_start3A_541 = arith.constant 0 : i32
    %dma_start3A_542 = tpu.memref_slice %arg4[%dma_start3A_540, %add3A_539, %dma_start3A_541] : memref<4x2048x1024xf32, #tpu.memory_space<hbm>> -> memref<1x16x1024xf32, #tpu.memory_space<hbm>>
    %dma_start3A_543 = tpu.memref_squeeze %dma_start3A_542 : memref<1x16x1024xf32, #tpu.memory_space<hbm>> -> memref<16x1024xf32, #tpu.memory_space<hbm>>
    %dma_start3A_544 = arith.constant 0 : i32
    %dma_start3A_545 = tpu.memref_slice %arg4[%dma_start3A_540, %add3A_539, %dma_start3A_544] : memref<4x2048x1024xf32, #tpu.memory_space<hbm>> -> memref<1x16x1024xf32, #tpu.memory_space<hbm>>
    %dma_start3A_546 = tpu.memref_squeeze %dma_start3A_545 : memref<1x16x1024xf32, #tpu.memory_space<hbm>> -> memref<16x1024xf32, #tpu.memory_space<hbm>>
    tpu.enqueue_dma source(%arg6 : memref<16x1024xf32, #tpu.memory_space<vmem>>) target(%dma_start3A_546 : memref<16x1024xf32, #tpu.memory_space<hbm>>) target_semaphore(%arg13 : memref<!tpu.dma_semaphore, #tpu.memory_space<semaphore_mem>>)
    %dma_wait3A_547 = arith.constant 3 : i32
    %dma_wait3A_548 = arith.constant 0 : i32
    %dma_wait3A_549 = tpu.memref_slice %arg4[%dma_wait3A_547, %add3A_520, %dma_wait3A_548] : memref<4x2048x1024xf32, #tpu.memory_space<hbm>> -> memref<1x16x1024xf32, #tpu.memory_space<hbm>>
    %dma_wait3A_550 = tpu.memref_squeeze %dma_wait3A_549 : memref<1x16x1024xf32, #tpu.memory_space<hbm>> -> memref<16x1024xf32, #tpu.memory_space<hbm>>
    %dma_wait3A_551 = arith.constant 0 : i32
    %dma_wait3A_552 = tpu.memref_slice %arg4[%dma_wait3A_547, %add3A_520, %dma_wait3A_551] : memref<4x2048x1024xf32, #tpu.memory_space<hbm>> -> memref<1x16x1024xf32, #tpu.memory_space<hbm>>
    %dma_wait3A_553 = tpu.memref_squeeze %dma_wait3A_552 : memref<1x16x1024xf32, #tpu.memory_space<hbm>> -> memref<16x1024xf32, #tpu.memory_space<hbm>>
    tpu.wait_dma2 semaphore(%arg15 : memref<!tpu.dma_semaphore, #tpu.memory_space<semaphore_mem>>) src(%arg8 : memref<16x1024xf32, #tpu.memory_space<vmem>>) dst(%dma_wait3A_553 : memref<16x1024xf32, #tpu.memory_space<hbm>>)
    %dma_wait3A_554 = arith.constant 3 : i32
    %dma_wait3A_555 = arith.constant 0 : i32
    %dma_wait3A_556 = tpu.memref_slice %arg4[%dma_wait3A_554, %add3A_539, %dma_wait3A_555] : memref<4x2048x1024xf32, #tpu.memory_space<hbm>> -> memref<1x16x1024xf32, #tpu.memory_space<hbm>>
    %dma_wait3A_557 = tpu.memref_squeeze %dma_wait3A_556 : memref<1x16x1024xf32, #tpu.memory_space<hbm>> -> memref<16x1024xf32, #tpu.memory_space<hbm>>
    %dma_wait3A_558 = arith.constant 0 : i32
    %dma_wait3A_559 = tpu.memref_slice %arg4[%dma_wait3A_554, %add3A_539, %dma_wait3A_558] : memref<4x2048x1024xf32, #tpu.memory_space<hbm>> -> memref<1x16x1024xf32, #tpu.memory_space<hbm>>
    %dma_wait3A_560 = tpu.memref_squeeze %dma_wait3A_559 : memref<1x16x1024xf32, #tpu.memory_space<hbm>> -> memref<16x1024xf32, #tpu.memory_space<hbm>>
    tpu.wait_dma2 semaphore(%arg13 : memref<!tpu.dma_semaphore, #tpu.memory_space<semaphore_mem>>) src(%arg6 : memref<16x1024xf32, #tpu.memory_space<vmem>>) dst(%dma_wait3A_560 : memref<16x1024xf32, #tpu.memory_space<hbm>>)
    return
  }
}

</mosaic_0001>

<sc_bundles>
// kernel: kernel.3.cloned.1.call-start
scs
__scs_entry_jumppad:
0x0: {  	(pc) =	sbr.rel $0x88, $3  }
0x1: {  	(tag) =	ssettag $0x0;
	lr =	simm.s32 $0x1  }
0x2: {  	[smem:$0x3F9F] =	sst lr;
	_ =	strace $0xD0000000  }
0x3: {  	_ = 	snop  }
0x4: {  	_ = 	snop  }
0x5: {  	_ = 	snop  }
0x6: {  	_ = 	snop  }
0x7: {  	_ = 	snop  }
__scs_overlays_trampoline_lowered:
0x8: {  	[smem:$0x3FAE] =	sst s0  }
0x9: {  	[smem:$0x3FAF] =	sst s1  }
0xa: {  	[smem:$0x3FB0] =	sst s2  }
0xb: {  	[smem:$0x3FB1] =	sst s3  }
0xc: {  	[smem:$0x3FB2] =	sst s4  }
0xd: {  	[smem:$0x3FB3] =	sst s5  }
0xe: {  	[smem:$0x3FB4] =	sst s6  }
0xf: {  	[smem:$0x3FB5] =	sst s7  }
0x10: {  	[smem:$0x3FB6] =	sst s8  }
0x11: {  	[smem:$0x3FB7] =	sst s9;
	s0 =	simm.s32 @!p0 $0x0  }
0x12: {  	s1 =	sld [smem:$0x3F9D];
	s0 =	simm.s32 @p0 $0x1  }
0x13: {  	[smem:$0x3FB8] =	sst s0;
	s0 =	simm.s32 @!p1 $0x0  }
0x14: {  	s2 =	sld [smem:$0x3F9C];
	s0 =	simm.s32 @p1 $0x1  }
0x15: {  	[smem:$0x3FB9] =	sst s0;
	s0 =	simm.s32 @!p2 $0x0  }
0x16: {  	s3 =	sld [smem:$0x3FDB];
	s0 =	simm.s32 @p2 $0x1  }
0x17: {  	s4 =	simm.s32 $0x1BF5;
	[smem:$0x3FBB] =	sst s0  }
0x18: {  	s0 =	sld [smem:$0x3F9E];
	_ =	swait.ge [sflag:s4], $0x0  }
0x19: {  	s7 =	sld [smem:$0x3F9F]  }
0x1a: {  	s8 =	sadd.s32 $0xFFFFE003, lr  }
0x1b: {  	s9 =	sadd.s32 $0xFFFFFEF7, lr;
	s5 =	simm.s32 $0xFFFFFFFF;
	p2 =	slt.u32 s8, $0xFFFFF086  }
0x1c: {  	p1 =	slt.u32 s9, $0xF7A;
	s5 =	simm.s32 @!p2 $0x0  }
0x1d: {  	s5 =	simm.s32 @p1 $0x1;
	p0 =	seq.s32 s7, s2  }
0x1e: {  	s7 =	smul.u32 @!p0 $0xF7A, s2;
	p2 =	seq.s32 @!p0 s5, $0x0  }
0x1f: {  	s9 =	smul.u32 $0xF7A, s1;
	s8 =	simm.s32 @!p0 $0x1BF5;
	p2 =	por !p2, p0  }
0x20: {  	[sflag:s8] =	ssyncset.s32 @!p0 $0xFFFFF086;
	s6 =	sadd.s32 @!p0 s3, s7;
	s7 =	simm.s32 @!p0 $0x108  }
0x21: {  	s3 =	sadd.s32 s3, s9;
	s6 =	sadd.s32 @!p0 $0x88, s6;
	s7 =	simm.s32 @p2 $0x1082  }
0x22: {  	[simem:s7], [sflag:s8] =	dma.local @!p0 [hbm:s6], $0xF7A  }
0x23: {  	s9 =	sor.u32 $0xD0000000, s2;
	s6 =	simm.s32 $0x108;
	_ =	swait.ge @!p0 [sflag:s8], $0x0  }
0x24: {  	s3 =	sadd.s32 $0x88, s3;
	s6 =	simm.s32 @!p1 $0x1082;
	[sflag:s4] =	ssyncset.s32 $0xFFFFF086  }
0x25: {  	[simem:s6], [sflag:s4] =	dma.local [hbm:s3], $0xF7A  }
0x26: {  	[smem:$0x3F9F] =	sst s1;
	(tag) =	ssettag s2;
	_ =	strace s9  }
0x27: {  	s1 =	sld [smem:$0x3FAF]  }
0x28: {  	s2 =	sld [smem:$0x3FB0]  }
0x29: {  	s4 =	sld [smem:$0x3FB2]  }
0x2a: {  	p0 =	seq.s32 s5, $0x0;
	s5 =	sld [smem:$0x3FB3]  }
0x2b: {  	s6 =	sld [smem:$0x3FB4]  }
0x2c: {  	s7 =	sld [smem:$0x3FB5]  }
0x2d: {  	s3 =	simm.s32 $0x108;
	s8 =	sld [smem:$0x3FB6]  }
0x2e: {  	s3 =	simm.s32 @!p0 $0x1082;
	s9 =	sld [smem:$0x3FB7]  }
0x2f: {  	lr =	sadd.s32 s0, s3;
	s0 =	sld [smem:$0x3FAE]  }
0x30: {  	s3 =	sld [smem:$0x3FB1]  }
0x31: {  	[smem:$0x3FBA] =	sst s10  }
0x32: {  	s10 =	sld [smem:$0x3FB8];
	_ =	sdelay $0x3  }
0x33: {  	p0 =	seq.s32 s10, $0x1;
	s10 =	sld [smem:$0x3FBA];
	_ =	sdelay $0x3  }
0x34: {  	[smem:$0x3FBA] =	sst s10  }
0x35: {  	s10 =	sld [smem:$0x3FB9];
	_ =	sdelay $0x3  }
0x36: {  	p1 =	seq.s32 s10, $0x1;
	s10 =	sld [smem:$0x3FBA];
	_ =	sdelay $0x3  }
0x37: {  	[smem:$0x3FBA] =	sst s10  }
0x38: {  	s10 =	sld [smem:$0x3FBB]  }
0x39: {  	_ = 	snop;
	(pc) =	sbr.ind lr, $3  }
0x3a: {  	_ = 	snop  }
0x3b: {  	_ = 	snop  }
0x3c: {  	p2 =	seq.s32 s10, $0x1;
	s10 =	sld [smem:$0x3FBA]  }
0x3d: {  	_ =	shalt  }
0x3e: {  	_ =	shalt  }
0x3f: {  	_ =	shalt  }
0x40: {  	_ =	shalt  }
0x41: {  	_ =	shalt  }
0x42: {  	_ =	shalt  }
0x43: {  	_ =	shalt  }
0x44: {  	_ =	shalt  }
0x45: {  	_ =	shalt  }
0x46: {  	_ =	shalt  }
0x47: {  	_ =	shalt  }
0x48: {  	_ =	shalt  }
0x49: {  	_ =	shalt  }
0x4a: {  	_ =	shalt  }
0x4b: {  	_ =	shalt  }
0x4c: {  	_ =	shalt  }
0x4d: {  	_ =	shalt  }
0x4e: {  	_ =	shalt  }
0x4f: {  	_ =	shalt  }
0x50: {  	_ =	shalt  }
0x51: {  	_ =	shalt  }
0x52: {  	_ =	shalt  }
0x53: {  	_ =	shalt  }
0x54: {  	_ =	shalt  }
0x55: {  	_ =	shalt  }
0x56: {  	_ =	shalt  }
0x57: {  	_ =	shalt  }
0x58: {  	_ =	shalt  }
0x59: {  	_ =	shalt  }
0x5a: {  	_ =	shalt  }
0x5b: {  	_ =	shalt  }
0x5c: {  	_ =	shalt  }
0x5d: {  	_ =	shalt  }
0x5e: {  	_ =	shalt  }
0x5f: {  	_ =	shalt  }
0x60: {  	_ =	shalt  }
0x61: {  	_ =	shalt  }
0x62: {  	_ =	shalt  }
0x63: {  	_ =	shalt  }
0x64: {  	_ =	shalt  }
0x65: {  	_ =	shalt  }
0x66: {  	_ =	shalt  }
0x67: {  	_ =	shalt  }
0x68: {  	_ =	shalt  }
0x69: {  	_ =	shalt  }
0x6a: {  	_ =	shalt  }
0x6b: {  	_ =	shalt  }
0x6c: {  	_ =	shalt  }
0x6d: {  	_ =	shalt  }
0x6e: {  	_ =	shalt  }
0x6f: {  	_ =	shalt  }
0x70: {  	_ =	shalt  }
0x71: {  	_ =	shalt  }
0x72: {  	_ =	shalt  }
0x73: {  	_ =	shalt  }
0x74: {  	_ =	shalt  }
0x75: {  	_ =	shalt  }
0x76: {  	_ =	shalt  }
0x77: {  	_ =	shalt  }
0x78: {  	_ =	shalt  }
0x79: {  	_ =	shalt  }
0x7a: {  	_ =	shalt  }
0x7b: {  	_ =	shalt  }
0x7c: {  	_ =	shalt  }
0x7d: {  	_ =	shalt  }
0x7e: {  	_ =	shalt  }
0x7f: {  	_ =	shalt  }
0x80: {  	_ =	shalt  }
0x81: {  	_ =	shalt  }
0x82: {  	_ =	shalt  }
0x83: {  	_ =	shalt  }
0x84: {  	_ =	shalt  }
0x85: {  	_ =	shalt  }
0x86: {  	_ =	shalt  }
0x87: {  	_ =	shalt  }
.Lfunc_end0:
.L_simem_size_0:
called_computation_lowered:
.L_overlay_start_0:
0x88: {  	s2 =	sld [smem:$0x3FD9]  }
0x89: {  	s3 =	sld [smem:$0x3FFE];
	_ =	sdelay $0x1  }
0x8a: {  	s1 =	srdreg.scid  }
0x8b: {  	s0 =	sand.u32 $0x1, s1  }
0x8c: {  	s18 =	sshll.u32 s0, $0xA;
	s2 =	sadd.s32 s3, s2  }
0x8d: {  	s2 =	sadd.s32 s2, s18  }
0x8e: {  	[smem:$0x3FC6] =	sst s2  }
0x8f: {  	_ = 	snop  }
0x90: {  	s2 =	sld [smem:$0x3FC9]  }
0x91: {  	s19 =	sld [smem:$0x3FC8]  }
0x92: {  	s4 =	sld [smem:$0x3FD0];
	(tm) =	ssettm $0x1  }
0x93: {  	s5 =	sld [smem:$0x3FFB];
	_ =	sdelay $0x3  }
0x94: {  	_ =	strace s5  }
0x95: {  	s5 =	sld [smem:$0x3FFC];
	_ =	sdelay $0x3  }
0x96: {  	_ =	strace s5  }
0x97: {  	s5 =	sld [smem:$0x3FFD];
	_ =	sdelay $0x3  }
0x98: {  	_ =	strace s5  }
0x99: {  	_ =	strace $0x8FFFFFFF  }
0x9a: {  	s20 =	sld [smem:$0x3FDB];
	_ =	sdelay $0x1  }
0x9b: {  	s6 =	simm.s32 $_scs_section_size  }
0x9c: {  	s7 =	simm.s32 $_size__tile_overlayer_lowered;
	s8 =	simm.s32 $_tile_overlayer_lowered  }
0x9d: {  	s23 =	simm.s32 $0x1BFF;
	s22 =	sshll.u32 s8, $0x1;
	s5 =	sadd.s32 s6, s20  }
0x9e: {  	s9 =	simm.s32 $0x0;
	s21 =	sshll.u32 s7, $0x1;
	s7 =	sadd.s32 s22, s5  }
0x9f: {  	[timem:s9], [sflag:s23] =	dma.local [hbm:s7], s21  }
0xa0: {  	_ =	swait.ge [sflag:s23], s21  }
0xa1: {  	s6 =	ssub.s32 $0x0, s21;
	[sflag:s23] =	ssyncset.done $0x0  }
0xa2: {  	[sflag:s23] =	ssyncadd.s32 s6;
	_ =	sdelay $0x1  }
0xa3: {  	s24 =	simm.s32 $0x1B8B  }
0xa4: {  	_ =	swait.ge [sflag:s24], $0x1  }
0xa5: {  	[sflag:s24] =	ssyncset.done $0x0  }
0xa6: {  	s25 =	simm.s32 $0x1B8E;
	[sflag:s24] =	ssyncadd.s32 $0xFFFFFFFF  }
0xa7: {  	s26 =	simm.s32 $execute0_lowered;
	[smem:$0x3FD2] =	sst s25  }
0xa8: {  	s6 =	sshll.u32 s26, $0x1;
	_ =	strace $0x80000046;
	[dreg:$0x1] =	wrdreg $0xFFFFFFFF  }
0xa9: {  	s28 =	simm.s32 $_size_execute0_lowered;
	s5 =	sadd.s32 s5, s6;
	[dreg:$0x0] =	wrdreg $0x0  }
0xaa: {  	s6 =	sshll.u32 s28, $0x1;
	[dreg:$0x2] =	wrdreg s5  }
0xab: {  	[dreg:$0x3] =	wrdreg s6  }
0xac: {  	[dreg:$0x4] =	wrdreg $0xC0  }
0xad: {  	_ =	task [dreg:s9], $0x5FFFF  }
0xae: {  	[dreg:$0x1] =	wrdreg $0xFFFFFFFF  }
0xaf: {  	[dreg:$0x0] =	wrdreg $0x60  }
0xb0: {  	[dreg:$0x2] =	wrdreg s2  }
0xb1: {  	[dreg:$0x3] =	wrdreg s19  }
0xb2: {  	[dreg:$0x4] =	wrdreg s4  }
0xb3: {  	[dreg:$0x5] =	wrdreg $0x9  }
0xb4: {  	_ =	task.clear_ibuf [dreg:s9], $0x6FFFF;
	_ =	strace $0x90000046  }
0xb5: {  	s29 =	simm.s32 $0x9;
	_ =	strace $0x80000048  }
0xb6: {  	_ =	swait.ge [sflag:s29], $0x1  }
0xb7: {  	[sflag:s29] =	ssyncadd.s32 $0xFFFFFFFF  }
0xb8: {  	_ =	strace $0x90000048  }
0xb9: {  	_ =	sfence  }
0xba: {  	s30 =	sld [smem:$0x0];
	_ =	sdelay $0x2  }
0xbb: {  	s31 =	sshll.u32 s1, $0xD;
	s1 =	sshrl.u32 s1, $0x2  }
0xbc: {  	s3 =	sand.u32 $0x4000, s31;
	s1 =	sadd.s32 s1, s30  }
0xbd: {  	s0 =	sor.u32 s3, s0;
	s1 =	sshll.u32 s1, $0x11  }
0xbe: {  	s0 =	sor.u32 s1, s0  }
0xbf: {  	s0 =	sadd.s32 $0x8F2B, s0  }
0xc0: {  	[sflag:s0] =	ssyncadd.remote.s32 $0x1  }
0xc1: {  	_ =	sfence.sel $0xFFFF  }
0xc2: {  	[dreg:$0x0] =	wrdreg $0xFFFFFFFF;
	(pc) =	sbr.abs _section_cstart, $3  }
0xc3: {  	[dreg:$0x1] =	wrdreg $0xFFFFFFFF  }
0xc4: {  	_ =	task.clear_ibuf [dreg:s9], $0x2FFFF;
	_ =	strace $0x9FFFFFFF  }
0xc5: {  	(tm) =	ssettm $0x7FFFFFFF  }
tec
execute0_lowered:
.L_overlay_start_1:
0x0: {  	(tag) =	ssettag $0x1  }
0x1: {  	s2 =	rddreg [dreg:$0x0]  }
0x2: {  	s0 =	rddreg [dreg:$0x1];
	s3 =	srdreg.scid  }
0x3: {  	s4 =	rddreg [dreg:$0x2];
	s6 =	stileid.u32;
	s3 =	sand.u32 $0x1, s3  }
0x4: {  	s6 =	sshll.u32 s6, $0xE;
	s5 =	ssub.s32 $0x2, s3;
	s3 =	sshll.u32 s3, $0xD  }
0x5: {  	s1 =	simm.s32 $0x0;
	s7 =	sshrl.u32 s5, $0x1;
	s3 =	sor.u32 s3, s6  }
0x6: {  	[smem:$0x7FF] =	sst s1;
	s5 =	ssub.s32 s5, s7;
	s0 =	sadd.s32 s0, s3  }
0x7: {  	s21 =	sor.u32 $0x800, s3;
	s23 =	sor.u32 $0x1000, s3;
	s24 =	sor.u32 $0x1800, s3  }
0x8: {  	s28 =	sor.u32 $0x40000, s3;
	[dreg:$0x4] =	wrdreg s0;
	s22 =	sadd.s32 s2, s21  }
0x9: {  	s29 =	sor.u32 $0x40800, s3;
	s8 =	sadd.s32 s2, s23;
	[dreg:$0x5] =	wrdreg s22  }
0xa: {  	s11 =	sor.u32 $0x41000, s3;
	s0 =	sadd.s32 s4, s21;
	[dreg:$0x6] =	wrdreg s8  }
0xb: {  	s12 =	sor.u32 $0x41800, s3;
	s25 =	sadd.s32 s2, s24;
	[dreg:$0x7] =	wrdreg s0  }
0xc: {  	s15 =	sor.u32 $0x80000, s3;
	s26 =	sadd.s32 s4, s23;
	[dreg:$0x8] =	wrdreg s25  }
0xd: {  	s16 =	sor.u32 $0x80800, s3;
	s9 =	sadd.s32 s2, s28;
	[dreg:$0x9] =	wrdreg s26  }
0xe: {  	s19 =	sor.u32 $0x81000, s3;
	s7 =	sadd.s32 s4, s24;
	[dreg:$0xa] =	wrdreg s9  }
0xf: {  	s31 =	sadd.s32 s2, s3;
	s10 =	sadd.s32 s2, s29;
	[dreg:$0xb] =	wrdreg s7  }
0x10: {  	s30 =	sadd.s32 s4, s3;
	s13 =	sadd.s32 s2, s11;
	[dreg:$0xc] =	wrdreg s10  }
0x11: {  	s6 =	sadd.s32 s4, s29;
	s14 =	sadd.s32 s2, s12;
	[dreg:$0xe] =	wrdreg s13  }
0x12: {  	s17 =	sadd.s32 s2, s15;
	s18 =	sadd.s32 s2, s16;
	[dreg:$0xf] =	wrdreg s6  }
0x13: {  	s20 =	sadd.s32 s2, s19;
	s21 =	sor.u32 $0x81800, s3;
	[dreg:$0x10] =	wrdreg s14  }
0x14: {  	s23 =	sor.u32 $0xC0000, s3;
	s29 =	sor.u32 $0xC1800, s3;
	[dreg:$0x12] =	wrdreg s17  }
0x15: {  	s5 =	smax.u32 s5, $0x1;
	s0 =	sadd.s32 s4, s28;
	[dreg:$0x14] =	wrdreg s18  }
0x16: {  	s7 =	sadd.s32 s4, s12;
	s6 =	sadd.s32 s4, s16;
	[dreg:$0x17] =	wrdreg s20  }
0x17: {  	s22 =	sadd.s32 s2, s21;
	s24 =	sadd.s32 s2, s23;
	[dreg:$0xd] =	wrdreg s0  }
0x18: {  	s25 =	sor.u32 $0xC0800, s3;
	s28 =	sor.u32 $0xC1000, s3;
	[dreg:$0x13] =	wrdreg s7  }
0x19: {  	s8 =	simm.s32 $0x2;
	s9 =	simm.s32 $0x14000;
	[dreg:$0x16] =	wrdreg s6  }
0x1a: {  	s10 =	simm.s32 $0x3;
	s12 =	simm.s32 $0x4;
	[dreg:$0x19] =	wrdreg s22  }
0x1b: {  	s13 =	simm.s32 $0x5;
	s0 =	sadd.s32 s4, s11;
	[dreg:$0x1b] =	wrdreg s24  }
0x1c: {  	s14 =	simm.s32 $0x6;
	s26 =	sadd.s32 s2, s25;
	[dreg:$0x11] =	wrdreg s0  }
0x1d: {  	s16 =	simm.s32 $0x0;
	s0 =	sadd.s32 s4, s15;
	[dreg:$0x1d] =	wrdreg s26  }
0x1e: {  	s3 =	sadd.s32 s4, s28;
	[dreg:$0x15] =	wrdreg s0;
	s0 =	sadd.s32 s4, s19  }
0x1f: {  	s6 =	simm.s32 $0x10000;
	[dreg:$0x18] =	wrdreg s0;
	s0 =	sadd.s32 s4, s21  }
0x20: {  	s7 =	simm.s32 $0x1;
	[dreg:$0x1a] =	wrdreg s0;
	s0 =	sadd.s32 s4, s23  }
0x21: {  	s11 =	simm.s32 $0x18000;
	[dreg:$0x1c] =	wrdreg s0;
	s0 =	sadd.s32 s4, s25  }
0x22: {  	s15 =	simm.s32 $0x7;
	s4 =	sadd.s32 s4, s29;
	[dreg:$0x1e] =	wrdreg s0  }
0x23: {  	s0 =	sadd.s32 s2, s28;
	s2 =	sadd.s32 s2, s29;
	_ =	strace $0x80000047  }
.LBB2_1:
0x24: {  	s17 =	rddreg [dreg:$0x4]  }
0x25: {  	[tilespmem:s1], [sflag:$0x1] =	stream.linear.gather [hbm4b:s17+s1], $0x10000, $0x38;
	[tilespmem:$0x1C000] =	vst v63  }
0x26: {  	_ = 	snop  }
0x27: {  	[tilespmem:s6], [sflag:$0x2] =	stream.linear.gather [hbm4b:s31+s1], $0x4000, $0x38;
	[tilespmem:$0x1C000] =	vst v63  }
0x28: {  	_ =	swait.ge [sflag:s7], $0x10000  }
0x29: {  	[sflag:s7] =	ssyncset.done $0x0  }
0x2a: {  	s17 =	simm.s32 $0x0;
	[sflag:s7] =	ssyncadd.s32 $0xFFFF0000  }
0x2b: {  	s19 =	sand.u32 $0x1C00, s1;
	s18 =	sand.u32 $0x2000, s17;
	_ =	swait.ge [sflag:s8], $0x4000  }
0x2c: {  	s28 =	sand.u32 $0x380, s1;
	s18 =	sor.u32 s18, s19;
	[sflag:s8] =	ssyncset.done $0x0  }
0x2d: {  	s18 =	sor.u32 s28, s18;
	s26 =	rddreg [dreg:$0x5];
	[sflag:s8] =	ssyncadd.s32 $0xFFFFC000  }
0x2e: {  	[tilespmem:s9], [sflag:$0x3] =	stream.linear.gather [hbm4b:s26+s1], $0x4000, $0x38;
	[tilespmem:$0x1C000] =	vst v63  }
0x2f: {  	v0 =	vld [tilespmem:s18+$0x70]  }
0x30: {  	v4 =	vld [tilespmem:s18+$0x0]  }
0x31: {  	v5 =	vld [tilespmem:s18+$0x10]  }
0x32: {  	v6 =	vld [tilespmem:s18+$0x20]  }
0x33: {  	v2 =	vld [tilespmem:s18+$0x30]  }
0x34: {  	v3 =	vld [tilespmem:s18+$0x40]  }
0x35: {  	s19 =	sor.u32 $0x10070, s18;
	v1 =	vld [tilespmem:s18+$0x60]  }
0x36: {  	[tilespmem:s19+$0x0] =	vst.add.f32.msk $0xffff, v0  }
0x37: {  	s29 =	sor.u32 $0x10000, s18;
	v0 =	vld [tilespmem:s18+$0x50]  }
0x38: {  	s21 =	sor.u32 $0x10010, s18;
	s24 =	sor.u32 $0x10020, s18;
	[tilespmem:s29+$0x0] =	vst.add.f32.msk $0xffff, v4  }
0x39: {  	s23 =	sor.u32 $0x10030, s18;
	s22 =	sor.u32 $0x10040, s18;
	s20 =	sor.u32 $0x10050, s18;
	[tilespmem:s21+$0x0] =	vst.add.f32.msk $0xffff, v5  }
0x3a: {  	s21 =	sor.u32 $0x10060, s18;
	[tilespmem:s24+$0x0] =	vst.add.f32.msk $0xffff, v6;
	s18 =	simm.s32 $0x0;
	s19 =	simm.s32 $0x0  }
.LBB2_2:
0x3b: {  	s17 =	sadd.s32 $0x80, s17;
	[tilespmem:s23+$0x0] =	vst.add.f32.msk $0xffff, v2;
	s18 =	sadd.s32 $0x400, s18  }
0x3c: {  	s19 =	sadd.s32 $0x10, s19;
	s23 =	sand.u32 $0x2000, s17;
	s24 =	sand.u32 $0x1C00, s18;
	[tilespmem:s22+$0x0] =	vst.add.f32.msk $0xffff, v3  }
0x3d: {  	p0 =	slt.u32 s17, $0x3F80;
	s22 =	sor.u32 s23, s24;
	s23 =	sand.u32 $0x380, s19;
	[tilespmem:s20+$0x0] =	vst.add.f32.msk $0xffff, v0  }
0x3e: {  	s24 =	sor.u32 s23, s22;
	[tilespmem:s21+$0x0] =	vst.add.f32.msk $0xffff, v1  }
0x3f: {  	s25 =	sor.u32 $0x10000, s24;
	s26 =	sor.u32 $0x10010, s24;
	s28 =	sor.u32 $0x10020, s24;
	v0 =	vld [tilespmem:s24+$0x70]  }
0x40: {  	s23 =	sor.u32 $0x10030, s24;
	s22 =	sor.u32 $0x10040, s24;
	s20 =	sor.u32 $0x10050, s24;
	v4 =	vld [tilespmem:s24+$0x0]  }
0x41: {  	s21 =	sor.u32 $0x10060, s24;
	v5 =	vld [tilespmem:s24+$0x10]  }
0x42: {  	v6 =	vld [tilespmem:s24+$0x20]  }
0x43: {  	s29 =	sor.u32 $0x10070, s24;
	v2 =	vld [tilespmem:s24+$0x30]  }
0x44: {  	[tilespmem:s29+$0x0] =	vst.add.f32.msk $0xffff, v0  }
0x45: {  	v3 =	vld [tilespmem:s24+$0x40]  }
.Ltmp0:
0x46: {  	v0 =	vld [tilespmem:s24+$0x50];
	(pc) =	sbr.rel @p0 .LBB2_2-.Ltmp0, $4  }
0x47: {  	v1 =	vld [tilespmem:s24+$0x60]  }
0x48: {  	[tilespmem:s25+$0x0] =	vst.add.f32.msk $0xffff, v4  }
0x49: {  	[tilespmem:s26+$0x0] =	vst.add.f32.msk $0xffff, v5  }
0x4a: {  	[tilespmem:s28+$0x0] =	vst.add.f32.msk $0xffff, v6  }
0x4b: {  	[tilespmem:s23+$0x0] =	vst.add.f32.msk $0xffff, v2  }
0x4c: {  	[tilespmem:s22+$0x0] =	vst.add.f32.msk $0xffff, v3  }
0x4d: {  	[tilespmem:s20+$0x0] =	vst.add.f32.msk $0xffff, v0  }
0x4e: {  	s17 =	simm.s32 $0x0;
	[tilespmem:s21+$0x0] =	vst.add.f32.msk $0xffff, v1  }
0x4f: {  	[hbm4b:s30+s17] =	stream.linear.scatter [tilespmem:s6], [sflag:$0x5], $0x4000, $0x38;
	[tilespmem:$0x1C000] =	vst v63  }
0x50: {  	_ =	swait.ge [sflag:s10], $0x4000  }
0x51: {  	[sflag:s10] =	ssyncset.done $0x0  }
0x52: {  	s18 =	rddreg [dreg:$0x6];
	[sflag:s10] =	ssyncadd.s32 $0xFFFFC000  }
0x53: {  	[tilespmem:s11], [sflag:$0x4] =	stream.linear.gather [hbm4b:s18+s17], $0x4000, $0x38;
	[tilespmem:$0x1C000] =	vst v63  }
0x54: {  	s18 =	simm.s32 $0x0  }
0x55: {  	s25 =	sand.u32 $0x380, s17;
	s19 =	sand.u32 $0x2000, s18  }
0x56: {  	s26 =	sand.u32 $0x1C00, s17;
	s19 =	sor.u32 s25, s19  }
0x57: {  	s19 =	sor.u32 s26, s19  }
0x58: {  	v0 =	vld [tilespmem:s19+$0x4070]  }
0x59: {  	v4 =	vld [tilespmem:s19+$0x4000]  }
0x5a: {  	v5 =	vld [tilespmem:s19+$0x4010]  }
0x5b: {  	v6 =	vld [tilespmem:s19+$0x4020]  }
0x5c: {  	v2 =	vld [tilespmem:s19+$0x4030]  }
0x5d: {  	v3 =	vld [tilespmem:s19+$0x4040]  }
0x5e: {  	s28 =	sor.u32 $0x14070, s19;
	v1 =	vld [tilespmem:s19+$0x4060]  }
0x5f: {  	[tilespmem:s28+$0x0] =	vst.add.f32.msk $0xffff, v0  }
0x60: {  	s29 =	sor.u32 $0x14000, s19;
	v0 =	vld [tilespmem:s19+$0x4050]  }
0x61: {  	s21 =	sor.u32 $0x14010, s19;
	[tilespmem:s29+$0x0] =	vst.add.f32.msk $0xffff, v4  }
0x62: {  	s24 =	sor.u32 $0x14020, s19;
	s23 =	sor.u32 $0x14030, s19;
	s22 =	sor.u32 $0x14040, s19;
	[tilespmem:s21+$0x0] =	vst.add.f32.msk $0xffff, v5  }
0x63: {  	s20 =	sor.u32 $0x14050, s19;
	s21 =	sor.u32 $0x14060, s19;
	[tilespmem:s24+$0x0] =	vst.add.f32.msk $0xffff, v6;
	s19 =	simm.s32 $0x0  }
.LBB2_4:
0x64: {  	s18 =	sadd.s32 $0x80, s18;
	[tilespmem:s23+$0x0] =	vst.add.f32.msk $0xffff, v2;
	s17 =	sadd.s32 $0x10, s17  }
0x65: {  	s19 =	sadd.s32 $0x400, s19;
	s23 =	sand.u32 $0x2000, s18;
	s24 =	sand.u32 $0x380, s17;
	[tilespmem:s22+$0x0] =	vst.add.f32.msk $0xffff, v3  }
0x66: {  	s22 =	sand.u32 $0x1C00, s19;
	p0 =	slt.u32 s18, $0x3F80;
	s23 =	sor.u32 s24, s23;
	[tilespmem:s20+$0x0] =	vst.add.f32.msk $0xffff, v0  }
0x67: {  	s24 =	sor.u32 s22, s23;
	[tilespmem:s21+$0x0] =	vst.add.f32.msk $0xffff, v1  }
0x68: {  	s25 =	sor.u32 $0x14000, s24;
	s26 =	sor.u32 $0x14010, s24;
	s28 =	sor.u32 $0x14020, s24;
	v0 =	vld [tilespmem:s24+$0x4070]  }
0x69: {  	s23 =	sor.u32 $0x14030, s24;
	s22 =	sor.u32 $0x14040, s24;
	s20 =	sor.u32 $0x14050, s24;
	v4 =	vld [tilespmem:s24+$0x4000]  }
0x6a: {  	s21 =	sor.u32 $0x14060, s24;
	v5 =	vld [tilespmem:s24+$0x4010]  }
0x6b: {  	v6 =	vld [tilespmem:s24+$0x4020]  }
0x6c: {  	s29 =	sor.u32 $0x14070, s24;
	v2 =	vld [tilespmem:s24+$0x4030]  }
0x6d: {  	[tilespmem:s29+$0x0] =	vst.add.f32.msk $0xffff, v0  }
0x6e: {  	v3 =	vld [tilespmem:s24+$0x4040]  }
.Ltmp1:
0x6f: {  	v0 =	vld [tilespmem:s24+$0x4050];
	(pc) =	sbr.rel @p0 .LBB2_4-.Ltmp1, $4  }
0x70: {  	v1 =	vld [tilespmem:s24+$0x4060]  }
0x71: {  	[tilespmem:s25+$0x0] =	vst.add.f32.msk $0xffff, v4  }
0x72: {  	[tilespmem:s26+$0x0] =	vst.add.f32.msk $0xffff, v5  }
0x73: {  	[tilespmem:s28+$0x0] =	vst.add.f32.msk $0xffff, v6  }
0x74: {  	[tilespmem:s23+$0x0] =	vst.add.f32.msk $0xffff, v2  }
0x75: {  	[tilespmem:s22+$0x0] =	vst.add.f32.msk $0xffff, v3  }
0x76: {  	[tilespmem:s20+$0x0] =	vst.add.f32.msk $0xffff, v0  }
0x77: {  	[tilespmem:s21+$0x0] =	vst.add.f32.msk $0xffff, v1  }
0x78: {  	s17 =	simm.s32 $0x0;
	s18 =	rddreg [dreg:$0x7]  }
0x79: {  	[hbm4b:s18+s17] =	stream.linear.scatter [tilespmem:s9], [sflag:$0x6], $0x4000, $0x38;
	[tilespmem:$0x1C000] =	vst v63  }
0x7a: {  	_ =	swait.ge [sflag:s12], $0x4000  }
0x7b: {  	[sflag:s12] =	ssyncset.done $0x0  }
0x7c: {  	s18 =	simm.s32 $0x0;
	[sflag:s12] =	ssyncadd.s32 $0xFFFFC000  }
0x7d: {  	s25 =	sand.u32 $0x380, s17;
	s19 =	sand.u32 $0x2000, s18;
	_ =	swait.ge [sflag:s13], $0x4000  }
0x7e: {  	s26 =	sand.u32 $0x1C00, s17;
	s19 =	sor.u32 s25, s19;
	[sflag:s13] =	ssyncset.done $0x0  }
0x7f: {  	s19 =	sor.u32 s26, s19;
	s24 =	rddreg [dreg:$0x8];
	[sflag:s13] =	ssyncadd.s32 $0xFFFFC000  }
0x80: {  	[tilespmem:s6], [sflag:$0x2] =	stream.linear.gather [hbm4b:s24+s17], $0x4000, $0x38;
	[tilespmem:$0x1C000] =	vst v63  }
0x81: {  	v0 =	vld [tilespmem:s19+$0x8070]  }
0x82: {  	v4 =	vld [tilespmem:s19+$0x8000]  }
0x83: {  	v5 =	vld [tilespmem:s19+$0x8010]  }
0x84: {  	v6 =	vld [tilespmem:s19+$0x8020]  }
0x85: {  	v2 =	vld [tilespmem:s19+$0x8030]  }
0x86: {  	v3 =	vld [tilespmem:s19+$0x8040]  }
0x87: {  	s28 =	sor.u32 $0x18070, s19;
	v1 =	vld [tilespmem:s19+$0x8060]  }
0x88: {  	[tilespmem:s28+$0x0] =	vst.add.f32.msk $0xffff, v0  }
0x89: {  	s29 =	sor.u32 $0x18000, s19;
	v0 =	vld [tilespmem:s19+$0x8050]  }
0x8a: {  	s21 =	sor.u32 $0x18010, s19;
	[tilespmem:s29+$0x0] =	vst.add.f32.msk $0xffff, v4  }
0x8b: {  	s23 =	sor.u32 $0x18030, s19;
	s22 =	sor.u32 $0x18040, s19;
	s24 =	sor.u32 $0x18020, s19;
	[tilespmem:s21+$0x0] =	vst.add.f32.msk $0xffff, v5  }
0x8c: {  	s20 =	sor.u32 $0x18050, s19;
	s21 =	sor.u32 $0x18060, s19;
	[tilespmem:s24+$0x0] =	vst.add.f32.msk $0xffff, v6;
	s19 =	simm.s32 $0x0  }
.LBB2_6:
0x8d: {  	s18 =	sadd.s32 $0x80, s18;
	[tilespmem:s23+$0x0] =	vst.add.f32.msk $0xffff, v2;
	s17 =	sadd.s32 $0x10, s17  }
0x8e: {  	s19 =	sadd.s32 $0x400, s19;
	s23 =	sand.u32 $0x2000, s18;
	s24 =	sand.u32 $0x380, s17;
	[tilespmem:s22+$0x0] =	vst.add.f32.msk $0xffff, v3  }
0x8f: {  	s22 =	sand.u32 $0x1C00, s19;
	p0 =	slt.u32 s18, $0x3F80;
	s23 =	sor.u32 s24, s23;
	[tilespmem:s20+$0x0] =	vst.add.f32.msk $0xffff, v0  }
0x90: {  	s24 =	sor.u32 s22, s23;
	[tilespmem:s21+$0x0] =	vst.add.f32.msk $0xffff, v1  }
0x91: {  	s25 =	sor.u32 $0x18000, s24;
	s26 =	sor.u32 $0x18010, s24;
	s28 =	sor.u32 $0x18020, s24;
	v0 =	vld [tilespmem:s24+$0x8070]  }
0x92: {  	s23 =	sor.u32 $0x18030, s24;
	s22 =	sor.u32 $0x18040, s24;
	s20 =	sor.u32 $0x18050, s24;
	v4 =	vld [tilespmem:s24+$0x8000]  }
0x93: {  	s21 =	sor.u32 $0x18060, s24;
	v5 =	vld [tilespmem:s24+$0x8010]  }
0x94: {  	v6 =	vld [tilespmem:s24+$0x8020]  }
0x95: {  	s29 =	sor.u32 $0x18070, s24;
	v2 =	vld [tilespmem:s24+$0x8030]  }
0x96: {  	[tilespmem:s29+$0x0] =	vst.add.f32.msk $0xffff, v0  }
0x97: {  	v3 =	vld [tilespmem:s24+$0x8040]  }
.Ltmp2:
0x98: {  	v0 =	vld [tilespmem:s24+$0x8050];
	(pc) =	sbr.rel @p0 .LBB2_6-.Ltmp2, $4  }
0x99: {  	v1 =	vld [tilespmem:s24+$0x8060]  }
0x9a: {  	[tilespmem:s25+$0x0] =	vst.add.f32.msk $0xffff, v4  }
0x9b: {  	[tilespmem:s26+$0x0] =	vst.add.f32.msk $0xffff, v5  }
0x9c: {  	[tilespmem:s28+$0x0] =	vst.add.f32.msk $0xffff, v6  }
0x9d: {  	[tilespmem:s23+$0x0] =	vst.add.f32.msk $0xffff, v2  }
0x9e: {  	[tilespmem:s22+$0x0] =	vst.add.f32.msk $0xffff, v3  }
0x9f: {  	[tilespmem:s20+$0x0] =	vst.add.f32.msk $0xffff, v0  }
0xa0: {  	[tilespmem:s21+$0x0] =	vst.add.f32.msk $0xffff, v1  }
0xa1: {  	s17 =	simm.s32 $0x0;
	s18 =	rddreg [dreg:$0x9]  }
0xa2: {  	[hbm4b:s18+s17] =	stream.linear.scatter [tilespmem:s11], [sflag:$0x7], $0x4000, $0x38;
	[tilespmem:$0x1C000] =	vst v63  }
0xa3: {  	_ =	swait.ge [sflag:s8], $0x4000  }
0xa4: {  	[sflag:s8] =	ssyncset.done $0x0  }
0xa5: {  	s18 =	simm.s32 $0x0;
	[sflag:s8] =	ssyncadd.s32 $0xFFFFC000  }
0xa6: {  	s25 =	sand.u32 $0x380, s17;
	s19 =	sand.u32 $0x2000, s18;
	_ =	swait.ge [sflag:s14], $0x4000  }
0xa7: {  	s26 =	sand.u32 $0x1C00, s17;
	s19 =	sor.u32 s25, s19;
	[sflag:s14] =	ssyncset.done $0x0  }
0xa8: {  	s19 =	sor.u32 s26, s19;
	s24 =	rddreg [dreg:$0xa];
	[sflag:s14] =	ssyncadd.s32 $0xFFFFC000  }
0xa9: {  	[tilespmem:s9], [sflag:$0x3] =	stream.linear.gather [hbm4b:s24+s17], $0x4000, $0x38;
	[tilespmem:$0x1C000] =	vst v63  }
0xaa: {  	v0 =	vld [tilespmem:s19+$0xC070]  }
0xab: {  	v4 =	vld [tilespmem:s19+$0xC000]  }
0xac: {  	v5 =	vld [tilespmem:s19+$0xC010]  }
0xad: {  	v6 =	vld [tilespmem:s19+$0xC020]  }
0xae: {  	v2 =	vld [tilespmem:s19+$0xC030]  }
0xaf: {  	v3 =	vld [tilespmem:s19+$0xC040]  }
0xb0: {  	s28 =	sor.u32 $0x10070, s19;
	v1 =	vld [tilespmem:s19+$0xC060]  }
0xb1: {  	[tilespmem:s28+$0x0] =	vst.add.f32.msk $0xffff, v0  }
0xb2: {  	s29 =	sor.u32 $0x10000, s19;
	v0 =	vld [tilespmem:s19+$0xC050]  }
0xb3: {  	s21 =	sor.u32 $0x10010, s19;
	[tilespmem:s29+$0x0] =	vst.add.f32.msk $0xffff, v4  }
0xb4: {  	s23 =	sor.u32 $0x10030, s19;
	s22 =	sor.u32 $0x10040, s19;
	s24 =	sor.u32 $0x10020, s19;
	[tilespmem:s21+$0x0] =	vst.add.f32.msk $0xffff, v5  }
0xb5: {  	s20 =	sor.u32 $0x10050, s19;
	s21 =	sor.u32 $0x10060, s19;
	[tilespmem:s24+$0x0] =	vst.add.f32.msk $0xffff, v6;
	s19 =	simm.s32 $0x0  }
.LBB2_8:
0xb6: {  	s18 =	sadd.s32 $0x80, s18;
	[tilespmem:s23+$0x0] =	vst.add.f32.msk $0xffff, v2;
	s17 =	sadd.s32 $0x10, s17  }
0xb7: {  	s19 =	sadd.s32 $0x400, s19;
	s23 =	sand.u32 $0x2000, s18;
	s24 =	sand.u32 $0x380, s17;
	[tilespmem:s22+$0x0] =	vst.add.f32.msk $0xffff, v3  }
0xb8: {  	s22 =	sand.u32 $0x1C00, s19;
	p0 =	slt.u32 s18, $0x3F80;
	s23 =	sor.u32 s24, s23;
	[tilespmem:s20+$0x0] =	vst.add.f32.msk $0xffff, v0  }
0xb9: {  	s24 =	sor.u32 s22, s23;
	[tilespmem:s21+$0x0] =	vst.add.f32.msk $0xffff, v1  }
0xba: {  	s25 =	sor.u32 $0x10000, s24;
	s26 =	sor.u32 $0x10010, s24;
	s28 =	sor.u32 $0x10020, s24;
	v0 =	vld [tilespmem:s24+$0xC070]  }
0xbb: {  	s23 =	sor.u32 $0x10030, s24;
	s22 =	sor.u32 $0x10040, s24;
	s20 =	sor.u32 $0x10050, s24;
	v4 =	vld [tilespmem:s24+$0xC000]  }
0xbc: {  	s21 =	sor.u32 $0x10060, s24;
	v5 =	vld [tilespmem:s24+$0xC010]  }
0xbd: {  	v6 =	vld [tilespmem:s24+$0xC020]  }
0xbe: {  	s29 =	sor.u32 $0x10070, s24;
	v2 =	vld [tilespmem:s24+$0xC030]  }
0xbf: {  	[tilespmem:s29+$0x0] =	vst.add.f32.msk $0xffff, v0  }
0xc0: {  	v3 =	vld [tilespmem:s24+$0xC040]  }
.Ltmp3:
0xc1: {  	v0 =	vld [tilespmem:s24+$0xC050];
	(pc) =	sbr.rel @p0 .LBB2_8-.Ltmp3, $4  }
0xc2: {  	v1 =	vld [tilespmem:s24+$0xC060]  }
0xc3: {  	[tilespmem:s25+$0x0] =	vst.add.f32.msk $0xffff, v4  }
0xc4: {  	[tilespmem:s26+$0x0] =	vst.add.f32.msk $0xffff, v5  }
0xc5: {  	[tilespmem:s28+$0x0] =	vst.add.f32.msk $0xffff, v6  }
0xc6: {  	[tilespmem:s23+$0x0] =	vst.add.f32.msk $0xffff, v2  }
0xc7: {  	[tilespmem:s22+$0x0] =	vst.add.f32.msk $0xffff, v3  }
0xc8: {  	[tilespmem:s20+$0x0] =	vst.add.f32.msk $0xffff, v0  }
0xc9: {  	[tilespmem:s21+$0x0] =	vst.add.f32.msk $0xffff, v1  }
0xca: {  	s17 =	simm.s32 $0x0;
	s18 =	rddreg [dreg:$0xb]  }
0xcb: {  	[hbm4b:s18+s17] =	stream.linear.scatter [tilespmem:s6], [sflag:$0x5], $0x4000, $0x38;
	[tilespmem:$0x1C000] =	vst v63  }
0xcc: {  	_ =	swait.ge [sflag:s10], $0x4000  }
0xcd: {  	[sflag:s10] =	ssyncset.done $0x0  }
0xce: {  	s18 =	simm.s32 $0x0;
	[sflag:s10] =	ssyncadd.s32 $0xFFFFC000  }
0xcf: {  	s25 =	sand.u32 $0x1C00, s17;
	s19 =	sand.u32 $0x2000, s18;
	_ =	swait.ge [sflag:s15], $0x4000  }
0xd0: {  	s26 =	sand.u32 $0x380, s17;
	s19 =	sor.u32 s19, s25;
	[sflag:s15] =	ssyncset.done $0x0  }
0xd1: {  	s19 =	sor.u32 s26, s19;
	s24 =	rddreg [dreg:$0xc];
	[sflag:s15] =	ssyncadd.s32 $0xFFFFC000  }
0xd2: {  	[tilespmem:s11], [sflag:$0x4] =	stream.linear.gather [hbm4b:s24+s17], $0x4000, $0x38;
	[tilespmem:$0x1C000] =	vst v63  }
0xd3: {  	v0 =	vld [tilespmem:s19+$0x70]  }
0xd4: {  	v4 =	vld [tilespmem:s19+$0x0]  }
0xd5: {  	v5 =	vld [tilespmem:s19+$0x10]  }
0xd6: {  	v6 =	vld [tilespmem:s19+$0x20]  }
0xd7: {  	v2 =	vld [tilespmem:s19+$0x30]  }
0xd8: {  	v3 =	vld [tilespmem:s19+$0x40]  }
0xd9: {  	s20 =	sor.u32 $0x14070, s19;
	v1 =	vld [tilespmem:s19+$0x60]  }
0xda: {  	[tilespmem:s20+$0x0] =	vst.add.f32.msk $0xffff, v0  }
0xdb: {  	s28 =	sor.u32 $0x14000, s19;
	v0 =	vld [tilespmem:s19+$0x50]  }
0xdc: {  	s29 =	sor.u32 $0x14010, s19;
	[tilespmem:s28+$0x0] =	vst.add.f32.msk $0xffff, v4  }
0xdd: {  	s23 =	sor.u32 $0x14030, s19;
	s22 =	sor.u32 $0x14040, s19;
	s24 =	sor.u32 $0x14020, s19;
	[tilespmem:s29+$0x0] =	vst.add.f32.msk $0xffff, v5  }
0xde: {  	s21 =	sor.u32 $0x14060, s19;
	s20 =	sor.u32 $0x14050, s19;
	[tilespmem:s24+$0x0] =	vst.add.f32.msk $0xffff, v6;
	s19 =	simm.s32 $0x0  }
.LBB2_10:
0xdf: {  	s18 =	sadd.s32 $0x80, s18;
	[tilespmem:s23+$0x0] =	vst.add.f32.msk $0xffff, v2;
	s17 =	sadd.s32 $0x400, s17  }
0xe0: {  	s19 =	sadd.s32 $0x10, s19;
	s23 =	sand.u32 $0x2000, s18;
	s24 =	sand.u32 $0x1C00, s17;
	[tilespmem:s22+$0x0] =	vst.add.f32.msk $0xffff, v3  }
0xe1: {  	p0 =	slt.u32 s18, $0x3F80;
	s22 =	sor.u32 s23, s24;
	s23 =	sand.u32 $0x380, s19;
	[tilespmem:s20+$0x0] =	vst.add.f32.msk $0xffff, v0  }
0xe2: {  	s24 =	sor.u32 s23, s22;
	[tilespmem:s21+$0x0] =	vst.add.f32.msk $0xffff, v1  }
0xe3: {  	s25 =	sor.u32 $0x14000, s24;
	s26 =	sor.u32 $0x14010, s24;
	s28 =	sor.u32 $0x14020, s24;
	v0 =	vld [tilespmem:s24+$0x70]  }
0xe4: {  	s23 =	sor.u32 $0x14030, s24;
	s22 =	sor.u32 $0x14040, s24;
	s20 =	sor.u32 $0x14050, s24;
	v4 =	vld [tilespmem:s24+$0x0]  }
0xe5: {  	s21 =	sor.u32 $0x14060, s24;
	v5 =	vld [tilespmem:s24+$0x10]  }
0xe6: {  	v6 =	vld [tilespmem:s24+$0x20]  }
0xe7: {  	s29 =	sor.u32 $0x14070, s24;
	v2 =	vld [tilespmem:s24+$0x30]  }
0xe8: {  	[tilespmem:s29+$0x0] =	vst.add.f32.msk $0xffff, v0  }
0xe9: {  	v3 =	vld [tilespmem:s24+$0x40]  }
.Ltmp4:
0xea: {  	v0 =	vld [tilespmem:s24+$0x50];
	(pc) =	sbr.rel @p0 .LBB2_10-.Ltmp4, $4  }
0xeb: {  	v1 =	vld [tilespmem:s24+$0x60]  }
0xec: {  	[tilespmem:s25+$0x0] =	vst.add.f32.msk $0xffff, v4  }
0xed: {  	[tilespmem:s26+$0x0] =	vst.add.f32.msk $0xffff, v5  }
0xee: {  	[tilespmem:s28+$0x0] =	vst.add.f32.msk $0xffff, v6  }
0xef: {  	[tilespmem:s23+$0x0] =	vst.add.f32.msk $0xffff, v2  }
0xf0: {  	[tilespmem:s22+$0x0] =	vst.add.f32.msk $0xffff, v3  }
0xf1: {  	[tilespmem:s20+$0x0] =	vst.add.f32.msk $0xffff, v0  }
0xf2: {  	[tilespmem:s21+$0x0] =	vst.add.f32.msk $0xffff, v1  }
0xf3: {  	s17 =	simm.s32 $0x0;
	s18 =	rddreg [dreg:$0xd]  }
0xf4: {  	[hbm4b:s18+s17] =	stream.linear.scatter [tilespmem:s9], [sflag:$0x6], $0x4000, $0x38;
	[tilespmem:$0x1C000] =	vst v63  }
0xf5: {  	_ =	swait.ge [sflag:s12], $0x4000  }
0xf6: {  	[sflag:s12] =	ssyncset.done $0x0  }
0xf7: {  	s18 =	simm.s32 $0x0;
	[sflag:s12] =	ssyncadd.s32 $0xFFFFC000  }
0xf8: {  	s25 =	sand.u32 $0x380, s17;
	s19 =	sand.u32 $0x2000, s18;
	_ =	swait.ge [sflag:s13], $0x4000  }
0xf9: {  	s26 =	sand.u32 $0x1C00, s17;
	s19 =	sor.u32 s25, s19;
	[sflag:s13] =	ssyncset.done $0x0  }
0xfa: {  	s19 =	sor.u32 s26, s19;
	s24 =	rddreg [dreg:$0xe];
	[sflag:s13] =	ssyncadd.s32 $0xFFFFC000  }
0xfb: {  	[tilespmem:s6], [sflag:$0x2] =	stream.linear.gather [hbm4b:s24+s17], $0x4000, $0x38;
	[tilespmem:$0x1C000] =	vst v63  }
0xfc: {  	v0 =	vld [tilespmem:s19+$0x4070]  }
0xfd: {  	v4 =	vld [tilespmem:s19+$0x4000]  }
0xfe: {  	v5 =	vld [tilespmem:s19+$0x4010]  }
0xff: {  	v6 =	vld [tilespmem:s19+$0x4020]  }
0x100: {  	v2 =	vld [tilespmem:s19+$0x4030]  }
0x101: {  	v3 =	vld [tilespmem:s19+$0x4040]  }
0x102: {  	s28 =	sor.u32 $0x18070, s19;
	v1 =	vld [tilespmem:s19+$0x4060]  }
0x103: {  	[tilespmem:s28+$0x0] =	vst.add.f32.msk $0xffff, v0  }
0x104: {  	s29 =	sor.u32 $0x18000, s19;
	v0 =	vld [tilespmem:s19+$0x4050]  }
0x105: {  	s21 =	sor.u32 $0x18010, s19;
	[tilespmem:s29+$0x0] =	vst.add.f32.msk $0xffff, v4  }
0x106: {  	s23 =	sor.u32 $0x18030, s19;
	s22 =	sor.u32 $0x18040, s19;
	s24 =	sor.u32 $0x18020, s19;
	[tilespmem:s21+$0x0] =	vst.add.f32.msk $0xffff, v5  }
0x107: {  	s20 =	sor.u32 $0x18050, s19;
	s21 =	sor.u32 $0x18060, s19;
	[tilespmem:s24+$0x0] =	vst.add.f32.msk $0xffff, v6;
	s19 =	simm.s32 $0x0  }
.LBB2_12:
0x108: {  	s18 =	sadd.s32 $0x80, s18;
	[tilespmem:s23+$0x0] =	vst.add.f32.msk $0xffff, v2;
	s17 =	sadd.s32 $0x10, s17  }
0x109: {  	s19 =	sadd.s32 $0x400, s19;
	s23 =	sand.u32 $0x2000, s18;
	s24 =	sand.u32 $0x380, s17;
	[tilespmem:s22+$0x0] =	vst.add.f32.msk $0xffff, v3  }
0x10a: {  	s22 =	sand.u32 $0x1C00, s19;
	p0 =	slt.u32 s18, $0x3F80;
	s23 =	sor.u32 s24, s23;
	[tilespmem:s20+$0x0] =	vst.add.f32.msk $0xffff, v0  }
0x10b: {  	s24 =	sor.u32 s22, s23;
	[tilespmem:s21+$0x0] =	vst.add.f32.msk $0xffff, v1  }
0x10c: {  	s25 =	sor.u32 $0x18000, s24;
	s26 =	sor.u32 $0x18010, s24;
	s28 =	sor.u32 $0x18020, s24;
	v0 =	vld [tilespmem:s24+$0x4070]  }
0x10d: {  	s23 =	sor.u32 $0x18030, s24;
	s22 =	sor.u32 $0x18040, s24;
	s20 =	sor.u32 $0x18050, s24;
	v4 =	vld [tilespmem:s24+$0x4000]  }
0x10e: {  	s21 =	sor.u32 $0x18060, s24;
	v5 =	vld [tilespmem:s24+$0x4010]  }
0x10f: {  	v6 =	vld [tilespmem:s24+$0x4020]  }
0x110: {  	s29 =	sor.u32 $0x18070, s24;
	v2 =	vld [tilespmem:s24+$0x4030]  }
0x111: {  	[tilespmem:s29+$0x0] =	vst.add.f32.msk $0xffff, v0  }
0x112: {  	v3 =	vld [tilespmem:s24+$0x4040]  }
.Ltmp5:
0x113: {  	v0 =	vld [tilespmem:s24+$0x4050];
	(pc) =	sbr.rel @p0 .LBB2_12-.Ltmp5, $4  }
0x114: {  	v1 =	vld [tilespmem:s24+$0x4060]  }
0x115: {  	[tilespmem:s25+$0x0] =	vst.add.f32.msk $0xffff, v4  }
0x116: {  	[tilespmem:s26+$0x0] =	vst.add.f32.msk $0xffff, v5  }
0x117: {  	[tilespmem:s28+$0x0] =	vst.add.f32.msk $0xffff, v6  }
0x118: {  	[tilespmem:s23+$0x0] =	vst.add.f32.msk $0xffff, v2  }
0x119: {  	[tilespmem:s22+$0x0] =	vst.add.f32.msk $0xffff, v3  }
0x11a: {  	[tilespmem:s20+$0x0] =	vst.add.f32.msk $0xffff, v0  }
0x11b: {  	[tilespmem:s21+$0x0] =	vst.add.f32.msk $0xffff, v1  }
0x11c: {  	s17 =	simm.s32 $0x0;
	s18 =	rddreg [dreg:$0xf]  }
0x11d: {  	[hbm4b:s18+s17] =	stream.linear.scatter [tilespmem:s11], [sflag:$0x7], $0x4000, $0x38;
	[tilespmem:$0x1C000] =	vst v63  }
0x11e: {  	_ =	swait.ge [sflag:s8], $0x4000  }
0x11f: {  	[sflag:s8] =	ssyncset.done $0x0  }
0x120: {  	s18 =	simm.s32 $0x0;
	[sflag:s8] =	ssyncadd.s32 $0xFFFFC000  }
0x121: {  	s25 =	sand.u32 $0x380, s17;
	s19 =	sand.u32 $0x2000, s18;
	_ =	swait.ge [sflag:s14], $0x4000  }
0x122: {  	s26 =	sand.u32 $0x1C00, s17;
	s19 =	sor.u32 s25, s19;
	[sflag:s14] =	ssyncset.done $0x0  }
0x123: {  	s19 =	sor.u32 s26, s19;
	s24 =	rddreg [dreg:$0x10];
	[sflag:s14] =	ssyncadd.s32 $0xFFFFC000  }
0x124: {  	[tilespmem:s9], [sflag:$0x3] =	stream.linear.gather [hbm4b:s24+s17], $0x4000, $0x38;
	[tilespmem:$0x1C000] =	vst v63  }
0x125: {  	v0 =	vld [tilespmem:s19+$0x8070]  }
0x126: {  	v4 =	vld [tilespmem:s19+$0x8000]  }
0x127: {  	v5 =	vld [tilespmem:s19+$0x8010]  }
0x128: {  	v6 =	vld [tilespmem:s19+$0x8020]  }
0x129: {  	v2 =	vld [tilespmem:s19+$0x8030]  }
0x12a: {  	v3 =	vld [tilespmem:s19+$0x8040]  }
0x12b: {  	s28 =	sor.u32 $0x10070, s19;
	v1 =	vld [tilespmem:s19+$0x8060]  }
0x12c: {  	[tilespmem:s28+$0x0] =	vst.add.f32.msk $0xffff, v0  }
0x12d: {  	s29 =	sor.u32 $0x10000, s19;
	v0 =	vld [tilespmem:s19+$0x8050]  }
0x12e: {  	s21 =	sor.u32 $0x10010, s19;
	[tilespmem:s29+$0x0] =	vst.add.f32.msk $0xffff, v4  }
0x12f: {  	s23 =	sor.u32 $0x10030, s19;
	s22 =	sor.u32 $0x10040, s19;
	s24 =	sor.u32 $0x10020, s19;
	[tilespmem:s21+$0x0] =	vst.add.f32.msk $0xffff, v5  }
0x130: {  	s20 =	sor.u32 $0x10050, s19;
	s21 =	sor.u32 $0x10060, s19;
	[tilespmem:s24+$0x0] =	vst.add.f32.msk $0xffff, v6;
	s19 =	simm.s32 $0x0  }
.LBB2_14:
0x131: {  	s18 =	sadd.s32 $0x80, s18;
	[tilespmem:s23+$0x0] =	vst.add.f32.msk $0xffff, v2;
	s17 =	sadd.s32 $0x10, s17  }
0x132: {  	s19 =	sadd.s32 $0x400, s19;
	s23 =	sand.u32 $0x2000, s18;
	s24 =	sand.u32 $0x380, s17;
	[tilespmem:s22+$0x0] =	vst.add.f32.msk $0xffff, v3  }
0x133: {  	s22 =	sand.u32 $0x1C00, s19;
	p0 =	slt.u32 s18, $0x3F80;
	s23 =	sor.u32 s24, s23;
	[tilespmem:s20+$0x0] =	vst.add.f32.msk $0xffff, v0  }
0x134: {  	s24 =	sor.u32 s22, s23;
	[tilespmem:s21+$0x0] =	vst.add.f32.msk $0xffff, v1  }
0x135: {  	s25 =	sor.u32 $0x10000, s24;
	s26 =	sor.u32 $0x10010, s24;
	s28 =	sor.u32 $0x10020, s24;
	v0 =	vld [tilespmem:s24+$0x8070]  }
0x136: {  	s23 =	sor.u32 $0x10030, s24;
	s22 =	sor.u32 $0x10040, s24;
	s20 =	sor.u32 $0x10050, s24;
	v4 =	vld [tilespmem:s24+$0x8000]  }
0x137: {  	s21 =	sor.u32 $0x10060, s24;
	v5 =	vld [tilespmem:s24+$0x8010]  }
0x138: {  	v6 =	vld [tilespmem:s24+$0x8020]  }
0x139: {  	s29 =	sor.u32 $0x10070, s24;
	v2 =	vld [tilespmem:s24+$0x8030]  }
0x13a: {  	[tilespmem:s29+$0x0] =	vst.add.f32.msk $0xffff, v0  }
0x13b: {  	v3 =	vld [tilespmem:s24+$0x8040]  }
.Ltmp6:
0x13c: {  	v0 =	vld [tilespmem:s24+$0x8050];
	(pc) =	sbr.rel @p0 .LBB2_14-.Ltmp6, $4  }
0x13d: {  	v1 =	vld [tilespmem:s24+$0x8060]  }
0x13e: {  	[tilespmem:s25+$0x0] =	vst.add.f32.msk $0xffff, v4  }
0x13f: {  	[tilespmem:s26+$0x0] =	vst.add.f32.msk $0xffff, v5  }
0x140: {  	[tilespmem:s28+$0x0] =	vst.add.f32.msk $0xffff, v6  }
0x141: {  	[tilespmem:s23+$0x0] =	vst.add.f32.msk $0xffff, v2  }
0x142: {  	[tilespmem:s22+$0x0] =	vst.add.f32.msk $0xffff, v3  }
0x143: {  	[tilespmem:s20+$0x0] =	vst.add.f32.msk $0xffff, v0  }
0x144: {  	[tilespmem:s21+$0x0] =	vst.add.f32.msk $0xffff, v1  }
0x145: {  	s17 =	simm.s32 $0x0;
	s18 =	rddreg [dreg:$0x11]  }
0x146: {  	[hbm4b:s18+s17] =	stream.linear.scatter [tilespmem:s6], [sflag:$0x5], $0x4000, $0x38;
	[tilespmem:$0x1C000] =	vst v63  }
0x147: {  	_ =	swait.ge [sflag:s10], $0x4000  }
0x148: {  	[sflag:s10] =	ssyncset.done $0x0  }
0x149: {  	s18 =	simm.s32 $0x0;
	[sflag:s10] =	ssyncadd.s32 $0xFFFFC000  }
0x14a: {  	s25 =	sand.u32 $0x380, s17;
	s19 =	sand.u32 $0x2000, s18;
	_ =	swait.ge [sflag:s15], $0x4000  }
0x14b: {  	s26 =	sand.u32 $0x1C00, s17;
	s19 =	sor.u32 s25, s19;
	[sflag:s15] =	ssyncset.done $0x0  }
0x14c: {  	s19 =	sor.u32 s26, s19;
	s24 =	rddreg [dreg:$0x12];
	[sflag:s15] =	ssyncadd.s32 $0xFFFFC000  }
0x14d: {  	[tilespmem:s11], [sflag:$0x4] =	stream.linear.gather [hbm4b:s24+s17], $0x4000, $0x38;
	[tilespmem:$0x1C000] =	vst v63  }
0x14e: {  	v0 =	vld [tilespmem:s19+$0xC070]  }
0x14f: {  	v4 =	vld [tilespmem:s19+$0xC000]  }
0x150: {  	v5 =	vld [tilespmem:s19+$0xC010]  }
0x151: {  	v6 =	vld [tilespmem:s19+$0xC020]  }
0x152: {  	v2 =	vld [tilespmem:s19+$0xC030]  }
0x153: {  	v3 =	vld [tilespmem:s19+$0xC040]  }
0x154: {  	s28 =	sor.u32 $0x14070, s19;
	v1 =	vld [tilespmem:s19+$0xC060]  }
0x155: {  	[tilespmem:s28+$0x0] =	vst.add.f32.msk $0xffff, v0  }
0x156: {  	s29 =	sor.u32 $0x14000, s19;
	v0 =	vld [tilespmem:s19+$0xC050]  }
0x157: {  	s21 =	sor.u32 $0x14010, s19;
	[tilespmem:s29+$0x0] =	vst.add.f32.msk $0xffff, v4  }
0x158: {  	s23 =	sor.u32 $0x14030, s19;
	s22 =	sor.u32 $0x14040, s19;
	s24 =	sor.u32 $0x14020, s19;
	[tilespmem:s21+$0x0] =	vst.add.f32.msk $0xffff, v5  }
0x159: {  	s20 =	sor.u32 $0x14050, s19;
	s21 =	sor.u32 $0x14060, s19;
	[tilespmem:s24+$0x0] =	vst.add.f32.msk $0xffff, v6;
	s19 =	simm.s32 $0x0  }
.LBB2_16:
0x15a: {  	s18 =	sadd.s32 $0x80, s18;
	[tilespmem:s23+$0x0] =	vst.add.f32.msk $0xffff, v2;
	s17 =	sadd.s32 $0x10, s17  }
0x15b: {  	s19 =	sadd.s32 $0x400, s19;
	s23 =	sand.u32 $0x2000, s18;
	s24 =	sand.u32 $0x380, s17;
	[tilespmem:s22+$0x0] =	vst.add.f32.msk $0xffff, v3  }
0x15c: {  	s22 =	sand.u32 $0x1C00, s19;
	p0 =	slt.u32 s18, $0x3F80;
	s23 =	sor.u32 s24, s23;
	[tilespmem:s20+$0x0] =	vst.add.f32.msk $0xffff, v0  }
0x15d: {  	s24 =	sor.u32 s22, s23;
	[tilespmem:s21+$0x0] =	vst.add.f32.msk $0xffff, v1  }
0x15e: {  	s25 =	sor.u32 $0x14000, s24;
	s26 =	sor.u32 $0x14010, s24;
	s28 =	sor.u32 $0x14020, s24;
	v0 =	vld [tilespmem:s24+$0xC070]  }
0x15f: {  	s23 =	sor.u32 $0x14030, s24;
	s22 =	sor.u32 $0x14040, s24;
	s20 =	sor.u32 $0x14050, s24;
	v4 =	vld [tilespmem:s24+$0xC000]  }
0x160: {  	s21 =	sor.u32 $0x14060, s24;
	v5 =	vld [tilespmem:s24+$0xC010]  }
0x161: {  	v6 =	vld [tilespmem:s24+$0xC020]  }
0x162: {  	s29 =	sor.u32 $0x14070, s24;
	v2 =	vld [tilespmem:s24+$0xC030]  }
0x163: {  	[tilespmem:s29+$0x0] =	vst.add.f32.msk $0xffff, v0  }
0x164: {  	v3 =	vld [tilespmem:s24+$0xC040]  }
.Ltmp7:
0x165: {  	v0 =	vld [tilespmem:s24+$0xC050];
	(pc) =	sbr.rel @p0 .LBB2_16-.Ltmp7, $4  }
0x166: {  	v1 =	vld [tilespmem:s24+$0xC060]  }
0x167: {  	[tilespmem:s25+$0x0] =	vst.add.f32.msk $0xffff, v4  }
0x168: {  	[tilespmem:s26+$0x0] =	vst.add.f32.msk $0xffff, v5  }
0x169: {  	[tilespmem:s28+$0x0] =	vst.add.f32.msk $0xffff, v6  }
0x16a: {  	[tilespmem:s23+$0x0] =	vst.add.f32.msk $0xffff, v2  }
0x16b: {  	[tilespmem:s22+$0x0] =	vst.add.f32.msk $0xffff, v3  }
0x16c: {  	[tilespmem:s20+$0x0] =	vst.add.f32.msk $0xffff, v0  }
0x16d: {  	[tilespmem:s21+$0x0] =	vst.add.f32.msk $0xffff, v1  }
0x16e: {  	s17 =	simm.s32 $0x0;
	s18 =	rddreg [dreg:$0x13]  }
0x16f: {  	[hbm4b:s18+s17] =	stream.linear.scatter [tilespmem:s9], [sflag:$0x6], $0x4000, $0x38;
	[tilespmem:$0x1C000] =	vst v63  }
0x170: {  	_ =	swait.ge [sflag:s12], $0x4000  }
0x171: {  	[sflag:s12] =	ssyncset.done $0x0  }
0x172: {  	s18 =	simm.s32 $0x0;
	[sflag:s12] =	ssyncadd.s32 $0xFFFFC000  }
0x173: {  	s25 =	sand.u32 $0x1C00, s17;
	s19 =	sand.u32 $0x2000, s18;
	_ =	swait.ge [sflag:s13], $0x4000  }
0x174: {  	s26 =	sand.u32 $0x380, s17;
	s19 =	sor.u32 s19, s25;
	[sflag:s13] =	ssyncset.done $0x0  }
0x175: {  	s19 =	sor.u32 s26, s19;
	s24 =	rddreg [dreg:$0x14];
	[sflag:s13] =	ssyncadd.s32 $0xFFFFC000  }
0x176: {  	[tilespmem:s6], [sflag:$0x2] =	stream.linear.gather [hbm4b:s24+s17], $0x4000, $0x38;
	[tilespmem:$0x1C000] =	vst v63  }
0x177: {  	v0 =	vld [tilespmem:s19+$0x70]  }
0x178: {  	v4 =	vld [tilespmem:s19+$0x0]  }
0x179: {  	v5 =	vld [tilespmem:s19+$0x10]  }
0x17a: {  	v6 =	vld [tilespmem:s19+$0x20]  }
0x17b: {  	v2 =	vld [tilespmem:s19+$0x30]  }
0x17c: {  	v3 =	vld [tilespmem:s19+$0x40]  }
0x17d: {  	s20 =	sor.u32 $0x18070, s19;
	v1 =	vld [tilespmem:s19+$0x60]  }
0x17e: {  	[tilespmem:s20+$0x0] =	vst.add.f32.msk $0xffff, v0  }
0x17f: {  	s28 =	sor.u32 $0x18000, s19;
	v0 =	vld [tilespmem:s19+$0x50]  }
0x180: {  	s29 =	sor.u32 $0x18010, s19;
	[tilespmem:s28+$0x0] =	vst.add.f32.msk $0xffff, v4  }
0x181: {  	s23 =	sor.u32 $0x18030, s19;
	s22 =	sor.u32 $0x18040, s19;
	s24 =	sor.u32 $0x18020, s19;
	[tilespmem:s29+$0x0] =	vst.add.f32.msk $0xffff, v5  }
0x182: {  	s21 =	sor.u32 $0x18060, s19;
	s20 =	sor.u32 $0x18050, s19;
	[tilespmem:s24+$0x0] =	vst.add.f32.msk $0xffff, v6;
	s19 =	simm.s32 $0x0  }
.LBB2_18:
0x183: {  	s18 =	sadd.s32 $0x80, s18;
	[tilespmem:s23+$0x0] =	vst.add.f32.msk $0xffff, v2;
	s17 =	sadd.s32 $0x400, s17  }
0x184: {  	s19 =	sadd.s32 $0x10, s19;
	s23 =	sand.u32 $0x2000, s18;
	s24 =	sand.u32 $0x1C00, s17;
	[tilespmem:s22+$0x0] =	vst.add.f32.msk $0xffff, v3  }
0x185: {  	p0 =	slt.u32 s18, $0x3F80;
	s22 =	sor.u32 s23, s24;
	s23 =	sand.u32 $0x380, s19;
	[tilespmem:s20+$0x0] =	vst.add.f32.msk $0xffff, v0  }
0x186: {  	s24 =	sor.u32 s23, s22;
	[tilespmem:s21+$0x0] =	vst.add.f32.msk $0xffff, v1  }
0x187: {  	s25 =	sor.u32 $0x18000, s24;
	s26 =	sor.u32 $0x18010, s24;
	s28 =	sor.u32 $0x18020, s24;
	v0 =	vld [tilespmem:s24+$0x70]  }
0x188: {  	s23 =	sor.u32 $0x18030, s24;
	s22 =	sor.u32 $0x18040, s24;
	s20 =	sor.u32 $0x18050, s24;
	v4 =	vld [tilespmem:s24+$0x0]  }
0x189: {  	s21 =	sor.u32 $0x18060, s24;
	v5 =	vld [tilespmem:s24+$0x10]  }
0x18a: {  	v6 =	vld [tilespmem:s24+$0x20]  }
0x18b: {  	s29 =	sor.u32 $0x18070, s24;
	v2 =	vld [tilespmem:s24+$0x30]  }
0x18c: {  	[tilespmem:s29+$0x0] =	vst.add.f32.msk $0xffff, v0  }
0x18d: {  	v3 =	vld [tilespmem:s24+$0x40]  }
.Ltmp8:
0x18e: {  	v0 =	vld [tilespmem:s24+$0x50];
	(pc) =	sbr.rel @p0 .LBB2_18-.Ltmp8, $4  }
0x18f: {  	v1 =	vld [tilespmem:s24+$0x60]  }
0x190: {  	[tilespmem:s25+$0x0] =	vst.add.f32.msk $0xffff, v4  }
0x191: {  	[tilespmem:s26+$0x0] =	vst.add.f32.msk $0xffff, v5  }
0x192: {  	[tilespmem:s28+$0x0] =	vst.add.f32.msk $0xffff, v6  }
0x193: {  	[tilespmem:s23+$0x0] =	vst.add.f32.msk $0xffff, v2  }
0x194: {  	[tilespmem:s22+$0x0] =	vst.add.f32.msk $0xffff, v3  }
0x195: {  	[tilespmem:s20+$0x0] =	vst.add.f32.msk $0xffff, v0  }
0x196: {  	[tilespmem:s21+$0x0] =	vst.add.f32.msk $0xffff, v1  }
0x197: {  	s17 =	simm.s32 $0x0;
	s18 =	rddreg [dreg:$0x15]  }
0x198: {  	[hbm4b:s18+s17] =	stream.linear.scatter [tilespmem:s11], [sflag:$0x7], $0x4000, $0x38;
	[tilespmem:$0x1C000] =	vst v63  }
0x199: {  	_ =	swait.ge [sflag:s8], $0x4000  }
0x19a: {  	[sflag:s8] =	ssyncset.done $0x0  }
0x19b: {  	s18 =	simm.s32 $0x0;
	[sflag:s8] =	ssyncadd.s32 $0xFFFFC000  }
0x19c: {  	s25 =	sand.u32 $0x380, s17;
	s19 =	sand.u32 $0x2000, s18;
	_ =	swait.ge [sflag:s14], $0x4000  }
0x19d: {  	s26 =	sand.u32 $0x1C00, s17;
	s19 =	sor.u32 s25, s19;
	[sflag:s14] =	ssyncset.done $0x0  }
0x19e: {  	s19 =	sor.u32 s26, s19;
	s24 =	rddreg [dreg:$0x17];
	[sflag:s14] =	ssyncadd.s32 $0xFFFFC000  }
0x19f: {  	[tilespmem:s9], [sflag:$0x3] =	stream.linear.gather [hbm4b:s24+s17], $0x4000, $0x38;
	[tilespmem:$0x1C000] =	vst v63  }
0x1a0: {  	v0 =	vld [tilespmem:s19+$0x4070]  }
0x1a1: {  	v4 =	vld [tilespmem:s19+$0x4000]  }
0x1a2: {  	v5 =	vld [tilespmem:s19+$0x4010]  }
0x1a3: {  	v6 =	vld [tilespmem:s19+$0x4020]  }
0x1a4: {  	v2 =	vld [tilespmem:s19+$0x4030]  }
0x1a5: {  	v3 =	vld [tilespmem:s19+$0x4040]  }
0x1a6: {  	s28 =	sor.u32 $0x10070, s19;
	v1 =	vld [tilespmem:s19+$0x4060]  }
0x1a7: {  	[tilespmem:s28+$0x0] =	vst.add.f32.msk $0xffff, v0  }
0x1a8: {  	s29 =	sor.u32 $0x10000, s19;
	v0 =	vld [tilespmem:s19+$0x4050]  }
0x1a9: {  	s21 =	sor.u32 $0x10010, s19;
	[tilespmem:s29+$0x0] =	vst.add.f32.msk $0xffff, v4  }
0x1aa: {  	s23 =	sor.u32 $0x10030, s19;
	s22 =	sor.u32 $0x10040, s19;
	s24 =	sor.u32 $0x10020, s19;
	[tilespmem:s21+$0x0] =	vst.add.f32.msk $0xffff, v5  }
0x1ab: {  	s20 =	sor.u32 $0x10050, s19;
	s21 =	sor.u32 $0x10060, s19;
	[tilespmem:s24+$0x0] =	vst.add.f32.msk $0xffff, v6;
	s19 =	simm.s32 $0x0  }
.LBB2_20:
0x1ac: {  	s18 =	sadd.s32 $0x80, s18;
	[tilespmem:s23+$0x0] =	vst.add.f32.msk $0xffff, v2;
	s17 =	sadd.s32 $0x10, s17  }
0x1ad: {  	s19 =	sadd.s32 $0x400, s19;
	s23 =	sand.u32 $0x2000, s18;
	s24 =	sand.u32 $0x380, s17;
	[tilespmem:s22+$0x0] =	vst.add.f32.msk $0xffff, v3  }
0x1ae: {  	s22 =	sand.u32 $0x1C00, s19;
	p0 =	slt.u32 s18, $0x3F80;
	s23 =	sor.u32 s24, s23;
	[tilespmem:s20+$0x0] =	vst.add.f32.msk $0xffff, v0  }
0x1af: {  	s24 =	sor.u32 s22, s23;
	[tilespmem:s21+$0x0] =	vst.add.f32.msk $0xffff, v1  }
0x1b0: {  	s25 =	sor.u32 $0x10000, s24;
	s26 =	sor.u32 $0x10010, s24;
	s28 =	sor.u32 $0x10020, s24;
	v0 =	vld [tilespmem:s24+$0x4070]  }
0x1b1: {  	s23 =	sor.u32 $0x10030, s24;
	s22 =	sor.u32 $0x10040, s24;
	s20 =	sor.u32 $0x10050, s24;
	v4 =	vld [tilespmem:s24+$0x4000]  }
0x1b2: {  	s21 =	sor.u32 $0x10060, s24;
	v5 =	vld [tilespmem:s24+$0x4010]  }
0x1b3: {  	v6 =	vld [tilespmem:s24+$0x4020]  }
0x1b4: {  	s29 =	sor.u32 $0x10070, s24;
	v2 =	vld [tilespmem:s24+$0x4030]  }
0x1b5: {  	[tilespmem:s29+$0x0] =	vst.add.f32.msk $0xffff, v0  }
0x1b6: {  	v3 =	vld [tilespmem:s24+$0x4040]  }
.Ltmp9:
0x1b7: {  	v0 =	vld [tilespmem:s24+$0x4050];
	(pc) =	sbr.rel @p0 .LBB2_20-.Ltmp9, $4  }
0x1b8: {  	v1 =	vld [tilespmem:s24+$0x4060]  }
0x1b9: {  	[tilespmem:s25+$0x0] =	vst.add.f32.msk $0xffff, v4  }
0x1ba: {  	[tilespmem:s26+$0x0] =	vst.add.f32.msk $0xffff, v5  }
0x1bb: {  	[tilespmem:s28+$0x0] =	vst.add.f32.msk $0xffff, v6  }
0x1bc: {  	[tilespmem:s23+$0x0] =	vst.add.f32.msk $0xffff, v2  }
0x1bd: {  	[tilespmem:s22+$0x0] =	vst.add.f32.msk $0xffff, v3  }
0x1be: {  	[tilespmem:s20+$0x0] =	vst.add.f32.msk $0xffff, v0  }
0x1bf: {  	[tilespmem:s21+$0x0] =	vst.add.f32.msk $0xffff, v1  }
0x1c0: {  	s17 =	simm.s32 $0x0;
	s18 =	rddreg [dreg:$0x16]  }
0x1c1: {  	[hbm4b:s18+s17] =	stream.linear.scatter [tilespmem:s6], [sflag:$0x5], $0x4000, $0x38;
	[tilespmem:$0x1C000] =	vst v63  }
0x1c2: {  	_ =	swait.ge [sflag:s10], $0x4000  }
0x1c3: {  	[sflag:s10] =	ssyncset.done $0x0  }
0x1c4: {  	s18 =	simm.s32 $0x0;
	[sflag:s10] =	ssyncadd.s32 $0xFFFFC000  }
0x1c5: {  	s25 =	sand.u32 $0x380, s17;
	s19 =	sand.u32 $0x2000, s18;
	_ =	swait.ge [sflag:s15], $0x4000  }
0x1c6: {  	s26 =	sand.u32 $0x1C00, s17;
	s19 =	sor.u32 s25, s19;
	[sflag:s15] =	ssyncset.done $0x0  }
0x1c7: {  	s19 =	sor.u32 s26, s19;
	s24 =	rddreg [dreg:$0x19];
	[sflag:s15] =	ssyncadd.s32 $0xFFFFC000  }
0x1c8: {  	[tilespmem:s11], [sflag:$0x4] =	stream.linear.gather [hbm4b:s24+s17], $0x4000, $0x38;
	[tilespmem:$0x1C000] =	vst v63  }
0x1c9: {  	v0 =	vld [tilespmem:s19+$0x8070]  }
0x1ca: {  	v4 =	vld [tilespmem:s19+$0x8000]  }
0x1cb: {  	v5 =	vld [tilespmem:s19+$0x8010]  }
0x1cc: {  	v6 =	vld [tilespmem:s19+$0x8020]  }
0x1cd: {  	v2 =	vld [tilespmem:s19+$0x8030]  }
0x1ce: {  	v3 =	vld [tilespmem:s19+$0x8040]  }
0x1cf: {  	s28 =	sor.u32 $0x14070, s19;
	v1 =	vld [tilespmem:s19+$0x8060]  }
0x1d0: {  	[tilespmem:s28+$0x0] =	vst.add.f32.msk $0xffff, v0  }
0x1d1: {  	s29 =	sor.u32 $0x14000, s19;
	v0 =	vld [tilespmem:s19+$0x8050]  }
0x1d2: {  	s21 =	sor.u32 $0x14010, s19;
	[tilespmem:s29+$0x0] =	vst.add.f32.msk $0xffff, v4  }
0x1d3: {  	s23 =	sor.u32 $0x14030, s19;
	s22 =	sor.u32 $0x14040, s19;
	s24 =	sor.u32 $0x14020, s19;
	[tilespmem:s21+$0x0] =	vst.add.f32.msk $0xffff, v5  }
0x1d4: {  	s20 =	sor.u32 $0x14050, s19;
	s21 =	sor.u32 $0x14060, s19;
	[tilespmem:s24+$0x0] =	vst.add.f32.msk $0xffff, v6;
	s19 =	simm.s32 $0x0  }
.LBB2_22:
0x1d5: {  	s18 =	sadd.s32 $0x80, s18;
	[tilespmem:s23+$0x0] =	vst.add.f32.msk $0xffff, v2;
	s17 =	sadd.s32 $0x10, s17  }
0x1d6: {  	s19 =	sadd.s32 $0x400, s19;
	s23 =	sand.u32 $0x2000, s18;
	s24 =	sand.u32 $0x380, s17;
	[tilespmem:s22+$0x0] =	vst.add.f32.msk $0xffff, v3  }
0x1d7: {  	s22 =	sand.u32 $0x1C00, s19;
	p0 =	slt.u32 s18, $0x3F80;
	s23 =	sor.u32 s24, s23;
	[tilespmem:s20+$0x0] =	vst.add.f32.msk $0xffff, v0  }
0x1d8: {  	s24 =	sor.u32 s22, s23;
	[tilespmem:s21+$0x0] =	vst.add.f32.msk $0xffff, v1  }
0x1d9: {  	s25 =	sor.u32 $0x14000, s24;
	s26 =	sor.u32 $0x14010, s24;
	s28 =	sor.u32 $0x14020, s24;
	v0 =	vld [tilespmem:s24+$0x8070]  }
0x1da: {  	s23 =	sor.u32 $0x14030, s24;
	s22 =	sor.u32 $0x14040, s24;
	s20 =	sor.u32 $0x14050, s24;
	v4 =	vld [tilespmem:s24+$0x8000]  }
0x1db: {  	s21 =	sor.u32 $0x14060, s24;
	v5 =	vld [tilespmem:s24+$0x8010]  }
0x1dc: {  	v6 =	vld [tilespmem:s24+$0x8020]  }
0x1dd: {  	s29 =	sor.u32 $0x14070, s24;
	v2 =	vld [tilespmem:s24+$0x8030]  }
0x1de: {  	[tilespmem:s29+$0x0] =	vst.add.f32.msk $0xffff, v0  }
0x1df: {  	v3 =	vld [tilespmem:s24+$0x8040]  }
.Ltmp10:
0x1e0: {  	v0 =	vld [tilespmem:s24+$0x8050];
	(pc) =	sbr.rel @p0 .LBB2_22-.Ltmp10, $4  }
0x1e1: {  	v1 =	vld [tilespmem:s24+$0x8060]  }
0x1e2: {  	[tilespmem:s25+$0x0] =	vst.add.f32.msk $0xffff, v4  }
0x1e3: {  	[tilespmem:s26+$0x0] =	vst.add.f32.msk $0xffff, v5  }
0x1e4: {  	[tilespmem:s28+$0x0] =	vst.add.f32.msk $0xffff, v6  }
0x1e5: {  	[tilespmem:s23+$0x0] =	vst.add.f32.msk $0xffff, v2  }
0x1e6: {  	[tilespmem:s22+$0x0] =	vst.add.f32.msk $0xffff, v3  }
0x1e7: {  	[tilespmem:s20+$0x0] =	vst.add.f32.msk $0xffff, v0  }
0x1e8: {  	[tilespmem:s21+$0x0] =	vst.add.f32.msk $0xffff, v1  }
0x1e9: {  	s17 =	simm.s32 $0x0;
	s18 =	rddreg [dreg:$0x18]  }
0x1ea: {  	[hbm4b:s18+s17] =	stream.linear.scatter [tilespmem:s9], [sflag:$0x6], $0x4000, $0x38;
	[tilespmem:$0x1C000] =	vst v63  }
0x1eb: {  	_ =	swait.ge [sflag:s12], $0x4000  }
0x1ec: {  	[sflag:s12] =	ssyncset.done $0x0  }
0x1ed: {  	s18 =	simm.s32 $0x0;
	[sflag:s12] =	ssyncadd.s32 $0xFFFFC000  }
0x1ee: {  	s25 =	sand.u32 $0x380, s17;
	s19 =	sand.u32 $0x2000, s18;
	_ =	swait.ge [sflag:s13], $0x4000  }
0x1ef: {  	s26 =	sand.u32 $0x1C00, s17;
	s19 =	sor.u32 s25, s19;
	[sflag:s13] =	ssyncset.done $0x0  }
0x1f0: {  	s19 =	sor.u32 s26, s19;
	s24 =	rddreg [dreg:$0x1b];
	[sflag:s13] =	ssyncadd.s32 $0xFFFFC000  }
0x1f1: {  	[tilespmem:s6], [sflag:$0x2] =	stream.linear.gather [hbm4b:s24+s17], $0x4000, $0x38;
	[tilespmem:$0x1C000] =	vst v63  }
0x1f2: {  	v0 =	vld [tilespmem:s19+$0xC070]  }
0x1f3: {  	v4 =	vld [tilespmem:s19+$0xC000]  }
0x1f4: {  	v5 =	vld [tilespmem:s19+$0xC010]  }
0x1f5: {  	v6 =	vld [tilespmem:s19+$0xC020]  }
0x1f6: {  	v2 =	vld [tilespmem:s19+$0xC030]  }
0x1f7: {  	v3 =	vld [tilespmem:s19+$0xC040]  }
0x1f8: {  	s28 =	sor.u32 $0x18070, s19;
	v1 =	vld [tilespmem:s19+$0xC060]  }
0x1f9: {  	[tilespmem:s28+$0x0] =	vst.add.f32.msk $0xffff, v0  }
0x1fa: {  	s29 =	sor.u32 $0x18000, s19;
	v0 =	vld [tilespmem:s19+$0xC050]  }
0x1fb: {  	s21 =	sor.u32 $0x18010, s19;
	[tilespmem:s29+$0x0] =	vst.add.f32.msk $0xffff, v4  }
0x1fc: {  	s23 =	sor.u32 $0x18030, s19;
	s22 =	sor.u32 $0x18040, s19;
	s24 =	sor.u32 $0x18020, s19;
	[tilespmem:s21+$0x0] =	vst.add.f32.msk $0xffff, v5  }
0x1fd: {  	s20 =	sor.u32 $0x18050, s19;
	s21 =	sor.u32 $0x18060, s19;
	[tilespmem:s24+$0x0] =	vst.add.f32.msk $0xffff, v6;
	s19 =	simm.s32 $0x0  }
.LBB2_24:
0x1fe: {  	s18 =	sadd.s32 $0x80, s18;
	[tilespmem:s23+$0x0] =	vst.add.f32.msk $0xffff, v2;
	s17 =	sadd.s32 $0x10, s17  }
0x1ff: {  	s19 =	sadd.s32 $0x400, s19;
	s23 =	sand.u32 $0x2000, s18;
	s24 =	sand.u32 $0x380, s17;
	[tilespmem:s22+$0x0] =	vst.add.f32.msk $0xffff, v3  }
0x200: {  	s22 =	sand.u32 $0x1C00, s19;
	p0 =	slt.u32 s18, $0x3F80;
	s23 =	sor.u32 s24, s23;
	[tilespmem:s20+$0x0] =	vst.add.f32.msk $0xffff, v0  }
0x201: {  	s24 =	sor.u32 s22, s23;
	[tilespmem:s21+$0x0] =	vst.add.f32.msk $0xffff, v1  }
0x202: {  	s25 =	sor.u32 $0x18000, s24;
	s26 =	sor.u32 $0x18010, s24;
	s28 =	sor.u32 $0x18020, s24;
	v0 =	vld [tilespmem:s24+$0xC070]  }
0x203: {  	s23 =	sor.u32 $0x18030, s24;
	s22 =	sor.u32 $0x18040, s24;
	s20 =	sor.u32 $0x18050, s24;
	v4 =	vld [tilespmem:s24+$0xC000]  }
0x204: {  	s21 =	sor.u32 $0x18060, s24;
	v5 =	vld [tilespmem:s24+$0xC010]  }
0x205: {  	v6 =	vld [tilespmem:s24+$0xC020]  }
0x206: {  	s29 =	sor.u32 $0x18070, s24;
	v2 =	vld [tilespmem:s24+$0xC030]  }
0x207: {  	[tilespmem:s29+$0x0] =	vst.add.f32.msk $0xffff, v0  }
0x208: {  	v3 =	vld [tilespmem:s24+$0xC040]  }
.Ltmp11:
0x209: {  	v0 =	vld [tilespmem:s24+$0xC050];
	(pc) =	sbr.rel @p0 .LBB2_24-.Ltmp11, $4  }
0x20a: {  	v1 =	vld [tilespmem:s24+$0xC060]  }
0x20b: {  	[tilespmem:s25+$0x0] =	vst.add.f32.msk $0xffff, v4  }
0x20c: {  	[tilespmem:s26+$0x0] =	vst.add.f32.msk $0xffff, v5  }
0x20d: {  	[tilespmem:s28+$0x0] =	vst.add.f32.msk $0xffff, v6  }
0x20e: {  	[tilespmem:s23+$0x0] =	vst.add.f32.msk $0xffff, v2  }
0x20f: {  	[tilespmem:s22+$0x0] =	vst.add.f32.msk $0xffff, v3  }
0x210: {  	[tilespmem:s20+$0x0] =	vst.add.f32.msk $0xffff, v0  }
0x211: {  	[tilespmem:s21+$0x0] =	vst.add.f32.msk $0xffff, v1  }
0x212: {  	s17 =	simm.s32 $0x0;
	s18 =	rddreg [dreg:$0x1a]  }
0x213: {  	[hbm4b:s18+s17] =	stream.linear.scatter [tilespmem:s11], [sflag:$0x7], $0x4000, $0x38;
	[tilespmem:$0x1C000] =	vst v63  }
0x214: {  	_ =	swait.ge [sflag:s8], $0x4000  }
0x215: {  	[sflag:s8] =	ssyncset.done $0x0  }
0x216: {  	s18 =	simm.s32 $0x0;
	[sflag:s8] =	ssyncadd.s32 $0xFFFFC000  }
0x217: {  	s25 =	sand.u32 $0x1C00, s17;
	s19 =	sand.u32 $0x2000, s18;
	_ =	swait.ge [sflag:s14], $0x4000  }
0x218: {  	s26 =	sand.u32 $0x380, s17;
	s19 =	sor.u32 s19, s25;
	[sflag:s14] =	ssyncset.done $0x0  }
0x219: {  	s19 =	sor.u32 s26, s19;
	s24 =	rddreg [dreg:$0x1d];
	[sflag:s14] =	ssyncadd.s32 $0xFFFFC000  }
0x21a: {  	[tilespmem:s9], [sflag:$0x3] =	stream.linear.gather [hbm4b:s24+s17], $0x4000, $0x38;
	[tilespmem:$0x1C000] =	vst v63  }
0x21b: {  	v0 =	vld [tilespmem:s19+$0x70]  }
0x21c: {  	v4 =	vld [tilespmem:s19+$0x0]  }
0x21d: {  	v5 =	vld [tilespmem:s19+$0x10]  }
0x21e: {  	v6 =	vld [tilespmem:s19+$0x20]  }
0x21f: {  	v2 =	vld [tilespmem:s19+$0x30]  }
0x220: {  	v3 =	vld [tilespmem:s19+$0x40]  }
0x221: {  	s20 =	sor.u32 $0x10070, s19;
	v1 =	vld [tilespmem:s19+$0x60]  }
0x222: {  	[tilespmem:s20+$0x0] =	vst.add.f32.msk $0xffff, v0  }
0x223: {  	s28 =	sor.u32 $0x10000, s19;
	v0 =	vld [tilespmem:s19+$0x50]  }
0x224: {  	s29 =	sor.u32 $0x10010, s19;
	[tilespmem:s28+$0x0] =	vst.add.f32.msk $0xffff, v4  }
0x225: {  	s23 =	sor.u32 $0x10030, s19;
	s22 =	sor.u32 $0x10040, s19;
	s24 =	sor.u32 $0x10020, s19;
	[tilespmem:s29+$0x0] =	vst.add.f32.msk $0xffff, v5  }
0x226: {  	s21 =	sor.u32 $0x10060, s19;
	s20 =	sor.u32 $0x10050, s19;
	[tilespmem:s24+$0x0] =	vst.add.f32.msk $0xffff, v6;
	s19 =	simm.s32 $0x0  }
.LBB2_26:
0x227: {  	s18 =	sadd.s32 $0x80, s18;
	[tilespmem:s23+$0x0] =	vst.add.f32.msk $0xffff, v2;
	s17 =	sadd.s32 $0x400, s17  }
0x228: {  	s19 =	sadd.s32 $0x10, s19;
	s23 =	sand.u32 $0x2000, s18;
	s24 =	sand.u32 $0x1C00, s17;
	[tilespmem:s22+$0x0] =	vst.add.f32.msk $0xffff, v3  }
0x229: {  	p0 =	slt.u32 s18, $0x3F80;
	s22 =	sor.u32 s23, s24;
	s23 =	sand.u32 $0x380, s19;
	[tilespmem:s20+$0x0] =	vst.add.f32.msk $0xffff, v0  }
0x22a: {  	s24 =	sor.u32 s23, s22;
	[tilespmem:s21+$0x0] =	vst.add.f32.msk $0xffff, v1  }
0x22b: {  	s25 =	sor.u32 $0x10000, s24;
	s26 =	sor.u32 $0x10010, s24;
	s28 =	sor.u32 $0x10020, s24;
	v0 =	vld [tilespmem:s24+$0x70]  }
0x22c: {  	s23 =	sor.u32 $0x10030, s24;
	s22 =	sor.u32 $0x10040, s24;
	s20 =	sor.u32 $0x10050, s24;
	v4 =	vld [tilespmem:s24+$0x0]  }
0x22d: {  	s21 =	sor.u32 $0x10060, s24;
	v5 =	vld [tilespmem:s24+$0x10]  }
0x22e: {  	v6 =	vld [tilespmem:s24+$0x20]  }
0x22f: {  	s29 =	sor.u32 $0x10070, s24;
	v2 =	vld [tilespmem:s24+$0x30]  }
0x230: {  	[tilespmem:s29+$0x0] =	vst.add.f32.msk $0xffff, v0  }
0x231: {  	v3 =	vld [tilespmem:s24+$0x40]  }
.Ltmp12:
0x232: {  	v0 =	vld [tilespmem:s24+$0x50];
	(pc) =	sbr.rel @p0 .LBB2_26-.Ltmp12, $4  }
0x233: {  	v1 =	vld [tilespmem:s24+$0x60]  }
0x234: {  	[tilespmem:s25+$0x0] =	vst.add.f32.msk $0xffff, v4  }
0x235: {  	[tilespmem:s26+$0x0] =	vst.add.f32.msk $0xffff, v5  }
0x236: {  	[tilespmem:s28+$0x0] =	vst.add.f32.msk $0xffff, v6  }
0x237: {  	[tilespmem:s23+$0x0] =	vst.add.f32.msk $0xffff, v2  }
0x238: {  	[tilespmem:s22+$0x0] =	vst.add.f32.msk $0xffff, v3  }
0x239: {  	[tilespmem:s20+$0x0] =	vst.add.f32.msk $0xffff, v0  }
0x23a: {  	[tilespmem:s21+$0x0] =	vst.add.f32.msk $0xffff, v1  }
0x23b: {  	s17 =	simm.s32 $0x0;
	s18 =	rddreg [dreg:$0x1c]  }
0x23c: {  	[hbm4b:s18+s17] =	stream.linear.scatter [tilespmem:s6], [sflag:$0x5], $0x4000, $0x38;
	[tilespmem:$0x1C000] =	vst v63  }
0x23d: {  	_ =	swait.ge [sflag:s10], $0x4000  }
0x23e: {  	[sflag:s10] =	ssyncset.done $0x0  }
0x23f: {  	s18 =	simm.s32 $0x0;
	[sflag:s10] =	ssyncadd.s32 $0xFFFFC000  }
0x240: {  	s25 =	sand.u32 $0x380, s17;
	s19 =	sand.u32 $0x2000, s18;
	_ =	swait.ge [sflag:s15], $0x4000  }
0x241: {  	s26 =	sand.u32 $0x1C00, s17;
	s19 =	sor.u32 s25, s19;
	[sflag:s15] =	ssyncset.done $0x0  }
0x242: {  	s19 =	sor.u32 s26, s19;
	[sflag:s15] =	ssyncadd.s32 $0xFFFFC000  }
0x243: {  	[tilespmem:s11], [sflag:$0x4] =	stream.linear.gather [hbm4b:s0+s17], $0x4000, $0x38;
	[tilespmem:$0x1C000] =	vst v63  }
0x244: {  	v0 =	vld [tilespmem:s19+$0x4070]  }
0x245: {  	v4 =	vld [tilespmem:s19+$0x4000]  }
0x246: {  	v5 =	vld [tilespmem:s19+$0x4010]  }
0x247: {  	v6 =	vld [tilespmem:s19+$0x4020]  }
0x248: {  	v2 =	vld [tilespmem:s19+$0x4030]  }
0x249: {  	v3 =	vld [tilespmem:s19+$0x4040]  }
0x24a: {  	s28 =	sor.u32 $0x14070, s19;
	v1 =	vld [tilespmem:s19+$0x4060]  }
0x24b: {  	[tilespmem:s28+$0x0] =	vst.add.f32.msk $0xffff, v0  }
0x24c: {  	s29 =	sor.u32 $0x14000, s19;
	v0 =	vld [tilespmem:s19+$0x4050]  }
0x24d: {  	s21 =	sor.u32 $0x14010, s19;
	[tilespmem:s29+$0x0] =	vst.add.f32.msk $0xffff, v4  }
0x24e: {  	s24 =	sor.u32 $0x14020, s19;
	s23 =	sor.u32 $0x14030, s19;
	s22 =	sor.u32 $0x14040, s19;
	[tilespmem:s21+$0x0] =	vst.add.f32.msk $0xffff, v5  }
0x24f: {  	s20 =	sor.u32 $0x14050, s19;
	s21 =	sor.u32 $0x14060, s19;
	[tilespmem:s24+$0x0] =	vst.add.f32.msk $0xffff, v6;
	s19 =	simm.s32 $0x0  }
.LBB2_28:
0x250: {  	s18 =	sadd.s32 $0x80, s18;
	[tilespmem:s23+$0x0] =	vst.add.f32.msk $0xffff, v2;
	s17 =	sadd.s32 $0x10, s17  }
0x251: {  	s19 =	sadd.s32 $0x400, s19;
	s23 =	sand.u32 $0x2000, s18;
	s24 =	sand.u32 $0x380, s17;
	[tilespmem:s22+$0x0] =	vst.add.f32.msk $0xffff, v3  }
0x252: {  	s22 =	sand.u32 $0x1C00, s19;
	p0 =	slt.u32 s18, $0x3F80;
	s23 =	sor.u32 s24, s23;
	[tilespmem:s20+$0x0] =	vst.add.f32.msk $0xffff, v0  }
0x253: {  	s24 =	sor.u32 s22, s23;
	[tilespmem:s21+$0x0] =	vst.add.f32.msk $0xffff, v1  }
0x254: {  	s25 =	sor.u32 $0x14000, s24;
	s26 =	sor.u32 $0x14010, s24;
	s28 =	sor.u32 $0x14020, s24;
	v0 =	vld [tilespmem:s24+$0x4070]  }
0x255: {  	s23 =	sor.u32 $0x14030, s24;
	s22 =	sor.u32 $0x14040, s24;
	s20 =	sor.u32 $0x14050, s24;
	v4 =	vld [tilespmem:s24+$0x4000]  }
0x256: {  	s21 =	sor.u32 $0x14060, s24;
	v5 =	vld [tilespmem:s24+$0x4010]  }
0x257: {  	v6 =	vld [tilespmem:s24+$0x4020]  }
0x258: {  	s29 =	sor.u32 $0x14070, s24;
	v2 =	vld [tilespmem:s24+$0x4030]  }
0x259: {  	[tilespmem:s29+$0x0] =	vst.add.f32.msk $0xffff, v0  }
0x25a: {  	v3 =	vld [tilespmem:s24+$0x4040]  }
.Ltmp13:
0x25b: {  	v0 =	vld [tilespmem:s24+$0x4050];
	(pc) =	sbr.rel @p0 .LBB2_28-.Ltmp13, $4  }
0x25c: {  	v1 =	vld [tilespmem:s24+$0x4060]  }
0x25d: {  	[tilespmem:s25+$0x0] =	vst.add.f32.msk $0xffff, v4  }
0x25e: {  	[tilespmem:s26+$0x0] =	vst.add.f32.msk $0xffff, v5  }
0x25f: {  	[tilespmem:s28+$0x0] =	vst.add.f32.msk $0xffff, v6  }
0x260: {  	[tilespmem:s23+$0x0] =	vst.add.f32.msk $0xffff, v2  }
0x261: {  	[tilespmem:s22+$0x0] =	vst.add.f32.msk $0xffff, v3  }
0x262: {  	[tilespmem:s20+$0x0] =	vst.add.f32.msk $0xffff, v0  }
0x263: {  	[tilespmem:s21+$0x0] =	vst.add.f32.msk $0xffff, v1  }
0x264: {  	s17 =	simm.s32 $0x0;
	s18 =	rddreg [dreg:$0x1e]  }
0x265: {  	[hbm4b:s18+s17] =	stream.linear.scatter [tilespmem:s9], [sflag:$0x6], $0x4000, $0x38;
	[tilespmem:$0x1C000] =	vst v63  }
0x266: {  	_ =	swait.ge [sflag:s12], $0x4000  }
0x267: {  	[sflag:s12] =	ssyncset.done $0x0  }
0x268: {  	s18 =	simm.s32 $0x0;
	[sflag:s12] =	ssyncadd.s32 $0xFFFFC000  }
0x269: {  	s25 =	sand.u32 $0x380, s17;
	s19 =	sand.u32 $0x2000, s18;
	_ =	swait.ge [sflag:s13], $0x4000  }
0x26a: {  	s26 =	sand.u32 $0x1C00, s17;
	s19 =	sor.u32 s25, s19;
	[sflag:s13] =	ssyncset.done $0x0  }
0x26b: {  	s19 =	sor.u32 s26, s19;
	[sflag:s13] =	ssyncadd.s32 $0xFFFFC000  }
0x26c: {  	[tilespmem:s6], [sflag:$0x2] =	stream.linear.gather [hbm4b:s2+s17], $0x4000, $0x38;
	[tilespmem:$0x1C000] =	vst v63  }
0x26d: {  	v0 =	vld [tilespmem:s19+$0x8070]  }
0x26e: {  	v4 =	vld [tilespmem:s19+$0x8000]  }
0x26f: {  	v5 =	vld [tilespmem:s19+$0x8010]  }
0x270: {  	v6 =	vld [tilespmem:s19+$0x8020]  }
0x271: {  	v2 =	vld [tilespmem:s19+$0x8030]  }
0x272: {  	v3 =	vld [tilespmem:s19+$0x8040]  }
0x273: {  	s28 =	sor.u32 $0x18070, s19;
	v1 =	vld [tilespmem:s19+$0x8060]  }
0x274: {  	[tilespmem:s28+$0x0] =	vst.add.f32.msk $0xffff, v0  }
0x275: {  	s29 =	sor.u32 $0x18000, s19;
	v0 =	vld [tilespmem:s19+$0x8050]  }
0x276: {  	s21 =	sor.u32 $0x18010, s19;
	[tilespmem:s29+$0x0] =	vst.add.f32.msk $0xffff, v4  }
0x277: {  	s24 =	sor.u32 $0x18020, s19;
	s23 =	sor.u32 $0x18030, s19;
	s22 =	sor.u32 $0x18040, s19;
	[tilespmem:s21+$0x0] =	vst.add.f32.msk $0xffff, v5  }
0x278: {  	s20 =	sor.u32 $0x18050, s19;
	s21 =	sor.u32 $0x18060, s19;
	[tilespmem:s24+$0x0] =	vst.add.f32.msk $0xffff, v6;
	s19 =	simm.s32 $0x0  }
.LBB2_30:
0x279: {  	s18 =	sadd.s32 $0x80, s18;
	[tilespmem:s23+$0x0] =	vst.add.f32.msk $0xffff, v2;
	s17 =	sadd.s32 $0x10, s17  }
0x27a: {  	s19 =	sadd.s32 $0x400, s19;
	s23 =	sand.u32 $0x2000, s18;
	s24 =	sand.u32 $0x380, s17;
	[tilespmem:s22+$0x0] =	vst.add.f32.msk $0xffff, v3  }
0x27b: {  	s22 =	sand.u32 $0x1C00, s19;
	p0 =	slt.u32 s18, $0x3F80;
	s23 =	sor.u32 s24, s23;
	[tilespmem:s20+$0x0] =	vst.add.f32.msk $0xffff, v0  }
0x27c: {  	s24 =	sor.u32 s22, s23;
	[tilespmem:s21+$0x0] =	vst.add.f32.msk $0xffff, v1  }
0x27d: {  	s25 =	sor.u32 $0x18000, s24;
	s26 =	sor.u32 $0x18010, s24;
	s28 =	sor.u32 $0x18020, s24;
	v0 =	vld [tilespmem:s24+$0x8070]  }
0x27e: {  	s23 =	sor.u32 $0x18030, s24;
	s22 =	sor.u32 $0x18040, s24;
	s20 =	sor.u32 $0x18050, s24;
	v4 =	vld [tilespmem:s24+$0x8000]  }
0x27f: {  	s21 =	sor.u32 $0x18060, s24;
	v5 =	vld [tilespmem:s24+$0x8010]  }
0x280: {  	v6 =	vld [tilespmem:s24+$0x8020]  }
0x281: {  	s29 =	sor.u32 $0x18070, s24;
	v2 =	vld [tilespmem:s24+$0x8030]  }
0x282: {  	[tilespmem:s29+$0x0] =	vst.add.f32.msk $0xffff, v0  }
0x283: {  	v3 =	vld [tilespmem:s24+$0x8040]  }
.Ltmp14:
0x284: {  	v0 =	vld [tilespmem:s24+$0x8050];
	(pc) =	sbr.rel @p0 .LBB2_30-.Ltmp14, $4  }
0x285: {  	v1 =	vld [tilespmem:s24+$0x8060]  }
0x286: {  	[tilespmem:s25+$0x0] =	vst.add.f32.msk $0xffff, v4  }
0x287: {  	[tilespmem:s26+$0x0] =	vst.add.f32.msk $0xffff, v5  }
0x288: {  	[tilespmem:s28+$0x0] =	vst.add.f32.msk $0xffff, v6  }
0x289: {  	[tilespmem:s23+$0x0] =	vst.add.f32.msk $0xffff, v2  }
0x28a: {  	[tilespmem:s22+$0x0] =	vst.add.f32.msk $0xffff, v3  }
0x28b: {  	[tilespmem:s20+$0x0] =	vst.add.f32.msk $0xffff, v0  }
0x28c: {  	s17 =	simm.s32 $0x0;
	s18 =	simm.s32 $0x0;
	[tilespmem:s21+$0x0] =	vst.add.f32.msk $0xffff, v1  }
0x28d: {  	[hbm4b:s3+s17] =	stream.linear.scatter [tilespmem:s11], [sflag:$0x7], $0x4000, $0x38;
	[tilespmem:$0x1C000] =	vst v63  }
0x28e: {  	s19 =	sand.u32 $0x2000, s18;
	s25 =	sand.u32 $0x380, s17;
	_ =	swait.ge [sflag:s8], $0x4000  }
0x28f: {  	s26 =	sand.u32 $0x1C00, s17;
	s19 =	sor.u32 s25, s19;
	[sflag:s8] =	ssyncset.done $0x0  }
0x290: {  	s19 =	sor.u32 s26, s19;
	[sflag:s8] =	ssyncadd.s32 $0xFFFFC000  }
0x291: {  	v0 =	vld [tilespmem:s19+$0xC070]  }
0x292: {  	v4 =	vld [tilespmem:s19+$0xC000]  }
0x293: {  	v5 =	vld [tilespmem:s19+$0xC010]  }
0x294: {  	v6 =	vld [tilespmem:s19+$0xC020]  }
0x295: {  	v2 =	vld [tilespmem:s19+$0xC030]  }
0x296: {  	v3 =	vld [tilespmem:s19+$0xC040]  }
0x297: {  	s28 =	sor.u32 $0x10070, s19;
	v1 =	vld [tilespmem:s19+$0xC060]  }
0x298: {  	[tilespmem:s28+$0x0] =	vst.add.f32.msk $0xffff, v0  }
0x299: {  	s29 =	sor.u32 $0x10000, s19;
	v0 =	vld [tilespmem:s19+$0xC050]  }
0x29a: {  	s21 =	sor.u32 $0x10010, s19;
	[tilespmem:s29+$0x0] =	vst.add.f32.msk $0xffff, v4  }
0x29b: {  	s24 =	sor.u32 $0x10020, s19;
	s23 =	sor.u32 $0x10030, s19;
	s22 =	sor.u32 $0x10040, s19;
	[tilespmem:s21+$0x0] =	vst.add.f32.msk $0xffff, v5  }
0x29c: {  	s20 =	sor.u32 $0x10050, s19;
	s21 =	sor.u32 $0x10060, s19;
	[tilespmem:s24+$0x0] =	vst.add.f32.msk $0xffff, v6;
	s19 =	simm.s32 $0x0  }
.LBB2_32:
0x29d: {  	s18 =	sadd.s32 $0x80, s18;
	[tilespmem:s23+$0x0] =	vst.add.f32.msk $0xffff, v2;
	s17 =	sadd.s32 $0x10, s17  }
0x29e: {  	s19 =	sadd.s32 $0x400, s19;
	s23 =	sand.u32 $0x2000, s18;
	s24 =	sand.u32 $0x380, s17;
	[tilespmem:s22+$0x0] =	vst.add.f32.msk $0xffff, v3  }
0x29f: {  	s22 =	sand.u32 $0x1C00, s19;
	p0 =	slt.u32 s18, $0x3F80;
	s23 =	sor.u32 s24, s23;
	[tilespmem:s20+$0x0] =	vst.add.f32.msk $0xffff, v0  }
0x2a0: {  	s24 =	sor.u32 s22, s23;
	[tilespmem:s21+$0x0] =	vst.add.f32.msk $0xffff, v1  }
0x2a1: {  	s25 =	sor.u32 $0x10000, s24;
	s26 =	sor.u32 $0x10010, s24;
	s28 =	sor.u32 $0x10020, s24;
	v0 =	vld [tilespmem:s24+$0xC070]  }
0x2a2: {  	s23 =	sor.u32 $0x10030, s24;
	s22 =	sor.u32 $0x10040, s24;
	s20 =	sor.u32 $0x10050, s24;
	v4 =	vld [tilespmem:s24+$0xC000]  }
0x2a3: {  	s21 =	sor.u32 $0x10060, s24;
	v5 =	vld [tilespmem:s24+$0xC010]  }
0x2a4: {  	v6 =	vld [tilespmem:s24+$0xC020]  }
0x2a5: {  	s29 =	sor.u32 $0x10070, s24;
	v2 =	vld [tilespmem:s24+$0xC030]  }
0x2a6: {  	[tilespmem:s29+$0x0] =	vst.add.f32.msk $0xffff, v0  }
0x2a7: {  	v3 =	vld [tilespmem:s24+$0xC040]  }
.Ltmp15:
0x2a8: {  	v0 =	vld [tilespmem:s24+$0xC050];
	(pc) =	sbr.rel @p0 .LBB2_32-.Ltmp15, $4  }
0x2a9: {  	v1 =	vld [tilespmem:s24+$0xC060]  }
0x2aa: {  	[tilespmem:s25+$0x0] =	vst.add.f32.msk $0xffff, v4  }
0x2ab: {  	[tilespmem:s26+$0x0] =	vst.add.f32.msk $0xffff, v5  }
0x2ac: {  	[tilespmem:s28+$0x0] =	vst.add.f32.msk $0xffff, v6  }
0x2ad: {  	[tilespmem:s23+$0x0] =	vst.add.f32.msk $0xffff, v2  }
0x2ae: {  	[tilespmem:s22+$0x0] =	vst.add.f32.msk $0xffff, v3  }
0x2af: {  	[tilespmem:s20+$0x0] =	vst.add.f32.msk $0xffff, v0  }
0x2b0: {  	s16 =	sadd.s32 $0x1, s16;
	[tilespmem:s21+$0x0] =	vst.add.f32.msk $0xffff, v1  }
0x2b1: {  	[hbm4b:s4+s1] =	stream.linear.scatter [tilespmem:s6], [sflag:$0x5], $0x4000, $0x38;
	[tilespmem:$0x1C000] =	vst v63  }
0x2b2: {  	p0 =	sne.s32 s16, s5;
	_ =	swait.ge [sflag:s15], $0x4000  }
.Ltmp16:
0x2b3: {  	[sflag:s15] =	ssyncset.done $0x0;
	(pc) =	sbr.rel @p0 .LBB2_1-.Ltmp16, $4  }
0x2b4: {  	[sflag:s15] =	ssyncadd.s32 $0xFFFFC000  }
0x2b5: {  	_ =	swait.ge [sflag:s13], $0x4000  }
0x2b6: {  	[sflag:s13] =	ssyncset.done $0x0  }
0x2b7: {  	[sflag:s13] =	ssyncadd.s32 $0xFFFFC000  }
0x2b8: {  	_ =	sfence.sel $0x180000  }
0x2b9: {  	[bflag:$0x0] =	sbarrier.arrive $0xFFFF  }
0x2ba: {  	_ =	strace $0x90000047  }
0x2bb: {  	s0 =	stileid.u32;
	[bflag:$0x2] =	sbarrier.arrive $0xFFFF  }
0x2bc: {  	p0 =	sne.s32 s0, $0x0;
	s0 =	rddreg [dreg:$0x3]  }
0x2bd: {  	s0 =	sadd.s32 @!p0 $0x100000, s0  }
0x2be: {  	[sflag:s0] =	ssyncadd.tile.s32 @!p0 $0x1;
	_ =	shalt  }
.Lfunc_end2:
_tile_overlayer_lowered:
.L_overlay_start_2:
0x2bf: {  	(tag) =	ssettag $0x2  }
0x2c0: {  	s0 =	rddreg [dreg:$0x0];
	s2 =	stileid.u32  }
0x2c1: {  	s1 =	rddreg [dreg:$0x1];
	p0 =	sne.s32 s2, $0x0  }
0x2c2: {  	s3 =	rddreg [dreg:$0x2];
	[bflag:$0x3] =	sbarrier.arrive $0xFFFF;
	s2 =	simm.s32 @!p0 $0x1C08  }
0x2c3: {  	[timem:s3], [sflag:s2] =	dma.local @!p0 [hbm:s0], s1  }
0x2c4: {  	s0 =	simm.s32 @!p0 $0x8  }
0x2c5: {  	_ =	swait.ge @!p0 [sflag:s0], s1  }
0x2c6: {  	s1 =	ssub.s32 @!p0 $0x0, s1;
	[sflag:s0] =	ssyncset.done @!p0 $0x0  }
0x2c7: {  	[sflag:s0] =	ssyncadd.s32 @!p0 s1  }
0x2c8: {  	[bflag:$0x3] =	sbarrier.arrive $0xFFFF  }
0x2c9: {  	_ =	shalt  }

</sc_bundles>
